<compile_context>
chip_gen: v7x
topology: tpu7x:2x2x1
jax: 0.10.2.dev20260603
libtpu: 0.0.44.dev20260713+nightly
codegen_flags: <defaults>
</compile_context>

<pallas_src>
import functools

import jax
import jax.numpy as jnp
from jax import lax
from jax.experimental import pallas as pl
from jax.experimental.pallas import tpu as pltpu
from jax.experimental.pallas import tpu_sc as plsc

N_NODES = 10000
N_EDGES = 320000
D = 128
N_CLASSES = 40
N_LAYERS = 3
BN_EPS = 1e-5

NC = 2
NS = 16
BATCH = 128
NB_TOT = 160
NB_F = 80
NB_S = NB_TOT - NB_F
CH = 16
NBUF = 2
N_PAD = 10112
ROWS_PER_TILE = N_PAD // NS
TRASH_ROW = N_NODES


def _sc_agg_body(h_hbm, srcs_hbm, dsts_hbm, zeros_hbm, out_hbm,
                 idx_s_v, idx_d_v, rows_v, agg_sh, sems, isems):
    c = lax.axis_index("c")
    s = lax.axis_index("s")

    pltpu.sync_copy(zeros_hbm.at[pl.ds(s * ROWS_PER_TILE, ROWS_PER_TILE)],
                    agg_sh.at[pl.ds(s * ROWS_PER_TILE, ROWS_PER_TILE)])
    plsc.subcore_barrier()

    def stage(start, k, slot, wait):
        if wait:
            pltpu.make_async_copy(srcs_hbm.at[s, pl.ds(0, CH)],
                                  idx_s_v.at[slot], isems.at[0]).wait()
            pltpu.make_async_copy(dsts_hbm.at[s, pl.ds(0, CH)],
                                  idx_d_v.at[slot], isems.at[1]).wait()
        else:
            pltpu.async_copy(srcs_hbm.at[s, pl.ds(start + k * CH, CH)],
                             idx_s_v.at[slot], isems.at[0])
            pltpu.async_copy(dsts_hbm.at[s, pl.ds(start + k * CH, CH)],
                             idx_d_v.at[slot], isems.at[1])

    def run_range(start, nbatch):
        nch = nbatch // CH
        stage(start, 0, 0, False)
        stage(start, 0, 0, True)
        if nch > 1:
            stage(start, 1, 1, False)
        pltpu.async_copy(h_hbm.at[idx_s_v.at[0, 0]], rows_v.at[0], sems.at[0])

        def body(j, _):
            p = lax.rem(j, NBUF)
            ji = j + NBUF - 1
            cn = ji // CH

            @pl.when((ji < nbatch) & (lax.rem(ji, CH) == 0))
            def _():
                stage(start, cn, lax.rem(cn, 3), True)

                @pl.when(cn + 1 < nch)
                def _():
                    stage(start, cn + 1, lax.rem(cn + 1, 3), False)

            @pl.when(ji < nbatch)
            def _():
                pltpu.async_copy(
                    h_hbm.at[idx_s_v.at[lax.rem(cn, 3), lax.rem(ji, CH)]],
                    rows_v.at[lax.rem(ji, NBUF)], sems.at[lax.rem(ji, NBUF)])

            pltpu.make_async_copy(h_hbm.at[idx_s_v.at[0, 0]],
                                  rows_v.at[p], sems.at[p]).wait()
            pltpu.sync_copy(
                rows_v.at[p],
                agg_sh.at[idx_d_v.at[lax.rem(j // CH, 3), lax.rem(j, CH)]],
                add=True)
            return 0

        lax.fori_loop(0, nbatch, body, 0)

    if NB_F > 0:
        @pl.when(c == 0)
        def _():
            run_range(0, NB_F)

    if NB_S > 0:
        @pl.when(c == 1)
        def _():
            run_range(NB_F, NB_S)

    plsc.subcore_barrier()

    pltpu.sync_copy(agg_sh.at[pl.ds(s * ROWS_PER_TILE, ROWS_PER_TILE)],
                    out_hbm.at[c, pl.ds(s * ROWS_PER_TILE, ROWS_PER_TILE)])


@jax.jit
def _sc_agg(h, srcs, dsts, zeros):
    mesh = plsc.VectorSubcoreMesh(core_axis_name="c", subcore_axis_name="s")
    return pl.kernel(
        _sc_agg_body,
        mesh=mesh,
        out_type=jax.ShapeDtypeStruct((NC, N_PAD, D), jnp.float32),
        scratch_types=[
            pltpu.VMEM((3, CH, BATCH), jnp.int32),
            pltpu.VMEM((3, CH, BATCH), jnp.int32),
            pltpu.VMEM((NBUF, BATCH, D), jnp.float32),
            pltpu.VMEM_SHARED((N_PAD, D), jnp.float32),
            pltpu.SemaphoreType.DMA((NBUF,)),
            pltpu.SemaphoreType.DMA((2,)),
        ],
    )(h, srcs, dsts, zeros)


def _prep_body(e_ref, srcs_ref, dsts_ref):
    pad_rows = NS * NB_TOT * BATCH // 128 - N_EDGES // 128
    i0 = lax.broadcasted_iota(jnp.int32, (pad_rows, 128), 0)
    i1 = lax.broadcasted_iota(jnp.int32, (pad_rows, 128), 1)
    flat = i0 * 128 + i1
    src = jnp.concatenate([e_ref[0].reshape(N_EDGES // 128, 128),
                           flat & 8191], axis=0)
    dst = jnp.concatenate([e_ref[1].reshape(N_EDGES // 128, 128),
                           TRASH_ROW + (flat & 63)], axis=0)
    srcs_ref[...] = src.reshape(NS, NB_TOT, BATCH)
    dsts_ref[...] = dst.reshape(NS, NB_TOT, BATCH)


def _prep(edge_index):
    return pl.pallas_call(
        _prep_body,
        out_shape=(jax.ShapeDtypeStruct((NS, NB_TOT, BATCH), jnp.int32),
                   jax.ShapeDtypeStruct((NS, NB_TOT, BATCH), jnp.int32)),
    )(edge_index)


def _mlp_bn(x, w1, b1, w2, b2, g, bt):
    y = jnp.dot(x, w1, preferred_element_type=jnp.float32) + b1
    y = jnp.maximum(y, 0.0)
    y = jnp.dot(y, w2, preferred_element_type=jnp.float32) + b2
    y = jnp.maximum(y, 0.0)
    mean = jnp.mean(y, axis=0, keepdims=True)
    var = jnp.mean(jnp.square(y - mean), axis=0, keepdims=True)
    return (y - mean) * (g * lax.rsqrt(var + BN_EPS)) + bt


def _tc_mid_body(h_ref, p_ref, w1_ref, b1_ref, w2_ref, b2_ref, g_ref, bt_ref,
                 o_ref):
    x = h_ref[...] + p_ref[0, :N_NODES, :] + p_ref[1, :N_NODES, :]
    o_ref[...] = _mlp_bn(x, w1_ref[...], b1_ref[...], w2_ref[...], b2_ref[...],
                         g_ref[...], bt_ref[...])


def _tc_last_body(h_ref, p_ref, w1_ref, b1_ref, w2_ref, b2_ref, g_ref, bt_ref,
                  fc1w_ref, fc1b_ref, fc2w_ref, fc2b_ref, o_ref):
    x = h_ref[...] + p_ref[0, :N_NODES, :] + p_ref[1, :N_NODES, :]
    hh = _mlp_bn(x, w1_ref[...], b1_ref[...], w2_ref[...], b2_ref[...],
                 g_ref[...], bt_ref[...])
    z = jnp.dot(hh, fc1w_ref[...], preferred_element_type=jnp.float32)
    z = jnp.maximum(z + fc1b_ref[...], 0.0)
    logits = jnp.dot(z, fc2w_ref[...],
                     preferred_element_type=jnp.float32) + fc2b_ref[...]
    col = lax.broadcasted_iota(jnp.int32, logits.shape, 1)
    zm = jnp.where(col < N_CLASSES, logits, -jnp.inf)
    m = jnp.max(zm, axis=-1, keepdims=True)
    lse = m + jnp.log(jnp.sum(jnp.exp(zm - m), axis=-1, keepdims=True))
    o_ref[...] = (logits - lse)[:, :N_CLASSES]


def _tc_mid(h, p, w1, b1, w2, b2, g, bt):
    return pl.pallas_call(
        _tc_mid_body,
        out_shape=jax.ShapeDtypeStruct((N_NODES, D), jnp.float32),
    )(h, p, w1, b1, w2, b2, g, bt)


def _tc_last(h, p, w1, b1, w2, b2, g, bt, fc1w, fc1b, fc2w, fc2b):
    return pl.pallas_call(
        _tc_last_body,
        out_shape=jax.ShapeDtypeStruct((N_NODES, N_CLASSES), jnp.float32),
    )(h, p, w1, b1, w2, b2, g, bt, fc1w, fc1b, fc2w, fc2b)


def kernel(features, edge_index, W1, b1, W2, b2, bn_gamma, bn_beta,
           fc1_W, fc1_b, fc2_W, fc2_b):
    srcs, dsts = _prep(edge_index.astype(jnp.int32))
    zeros = jnp.zeros((N_PAD, D), jnp.float32)

    fc2w_p = jnp.zeros((D, D), jnp.float32).at[:, :N_CLASSES].set(fc2_W)
    fc2b_p = jnp.zeros((D,), jnp.float32).at[:N_CLASSES].set(fc2_b)

    h = features
    for i in range(N_LAYERS - 1):
        p = _sc_agg(h, srcs, dsts, zeros)
        h = _tc_mid(h, p, W1[i], b1[i], W2[i], b2[i], bn_gamma[i], bn_beta[i])
    i = N_LAYERS - 1
    p = _sc_agg(h, srcs, dsts, zeros)
    return _tc_last(h, p, W1[i], b1[i], W2[i], b2[i], bn_gamma[i], bn_beta[i],
                    fc1_W, fc1_b, fc2w_p, fc2b_p)

# --- scband reference (transcript-rebuilt; emitter-appended) ---
"""Pipeline reference for scband-gin-1211180778047 (READ-ONLY COPY).

The authoritative reference and input builder live on the scoring server;
editing this copy changes nothing except your own understanding.
"""

import jax, jax.numpy as jnp
import numpy as np

N_NODES = 10000
N_EDGES = 320000
D_IN = 128
D_HID = 128
N_CLASSES = 40
N_LAYERS = 3
BN_EPS = 1e-5


def setup_inputs(seed: int = 0) -> dict:
    key = jax.random.key(seed)
    ks = jax.random.split(key, 16)
    s = 1.0 / np.sqrt(D_HID)
    inp = {}
    inp["features"] = jax.random.normal(ks[0], (N_NODES, D_IN), dtype=jnp.float32)
    inp["edge_index"] = jax.random.randint(ks[1], (2, N_EDGES), 0, N_NODES, dtype=jnp.int64)
    # Stacked per-layer MLP params (all layers are 128->128->128 since in_feats == n_hidden)
    inp["W1"] = jax.random.uniform(ks[2], (N_LAYERS, D_HID, D_HID), jnp.float32, -s, s)
    inp["b1"] = jax.random.uniform(ks[3], (N_LAYERS, D_HID), jnp.float32, -s, s)
    inp["W2"] = jax.random.uniform(ks[4], (N_LAYERS, D_HID, D_HID), jnp.float32, -s, s)
    inp["b2"] = jax.random.uniform(ks[5], (N_LAYERS, D_HID), jnp.float32, -s, s)
    inp["bn_gamma"] = jnp.ones((N_LAYERS, D_HID), jnp.float32)
    inp["bn_beta"] = jnp.zeros((N_LAYERS, D_HID), jnp.float32)
    inp["fc1_W"] = jax.random.uniform(ks[6], (D_HID, D_HID), jnp.float32, -s, s)
    inp["fc1_b"] = jax.random.uniform(ks[7], (D_HID,), jnp.float32, -s, s)
    inp["fc2_W"] = jax.random.uniform(ks[8], (D_HID, N_CLASSES), jnp.float32, -s, s)
    inp["fc2_b"] = jax.random.uniform(ks[9], (N_CLASSES,), jnp.float32, -s, s)
    return inp


def reference(features, edge_index, W1, b1, W2, b2, bn_gamma, bn_beta, fc1_W, fc1_b, fc2_W, fc2_b):
    src = edge_index[0]
    dst = edge_index[1]
    n = features.shape[0]
    h = features
    for i in range(N_LAYERS):
        # GINConv, aggregator 'sum', eps=0 (not learned): rst = (1+eps)*h + sum_{j in N(v)} h_j
        agg = jax.ops.segment_sum(h[src], dst, num_segments=n)
        x = h + agg
        # apply_func MLP: Linear -> ReLU -> Linear
        x = jax.nn.relu(x @ W1[i] + b1[i]) @ W2[i] + b2[i]
        # outer F.relu in GIN.forward
        x = jax.nn.relu(x)
        # BatchNorm1d in training mode: batch statistics (biased variance)
        mean = jnp.mean(x, axis=0)
        var = jnp.var(x, axis=0)
        h = (x - mean) / jnp.sqrt(var + BN_EPS) * bn_gamma[i] + bn_beta[i]
    h = jax.nn.relu(h @ fc1_W + fc1_b)
    h = h @ fc2_W + fc2_b
    return jax.nn.log_softmax(h, axis=-1)

if __name__ == "__main__":
    import jax
    _d = setup_inputs()
    print(jax.jit(kernel)(*tuple(_d.values())))

</pallas_src>

<mosaic_0001>
#map = affine_map<(d0, d1) -> (0, 0)>
#map1 = affine_map<(d0, d1) -> (0, 0, 0)>
module attributes {stable_mosaic.version = 14 : i64} {
  func.func @_sc_agg_body(%arg0: i32, %arg1: i32, %arg2: memref<10000x128xf32, #tpu.memory_space<hbm>>, %arg3: memref<16x160x128xi32, #tpu.memory_space<hbm>>, %arg4: memref<16x160x128xi32, #tpu.memory_space<hbm>>, %arg5: memref<10112x128xf32, #tpu.memory_space<hbm>>, %arg6: memref<2x10112x128xf32, #tpu.memory_space<hbm>>, %arg7: memref<3x16x128xi32, #tpu.memory_space<vmem>>, %arg8: memref<3x16x128xi32, #tpu.memory_space<vmem>>, %arg9: memref<2x128x128xf32, #tpu.memory_space<vmem>>, %arg10: memref<10112x128xf32, #tpu.memory_space<vmem_shared>>, %arg11: memref<2x!tpu.dma_semaphore, #tpu.memory_space<semaphore_mem>>, %arg12: memref<2x!tpu.dma_semaphore, #tpu.memory_space<semaphore_mem>>) attributes {dimension_semantics = [#tpu.dimension_semantics<core_parallel>, #tpu.dimension_semantics<subcore_parallel>], iteration_bounds = array<i64: 2, 16>, scalar_prefetch = 0 : i64, scratch_operands = 6 : i64, tpu.core_type = #tpu.core_type<sc_vector_subcore>, window_params = [{transform_indices = #map}, {transform_indices = #map1}, {transform_indices = #map1}, {transform_indices = #map}, {transform_indices = #map1}]} {
    %mul3A = arith.constant 632 : i32
    %mul3A_0 = arith.muli %arg1, %mul3A : i32
    %mul3A_1 = arith.constant 632 : i32
    %mul3A_2 = arith.muli %arg1, %mul3A_1 : i32
    "tpu.region"() ({
      %run_scoped3A = tpu.sem_alloc : memref<!tpu.dma_semaphore, #tpu.memory_space<semaphore_mem>>
      %dma_start3A = arith.constant 0 : i32
      %dma_start3A_15 = tpu.memref_slice %arg10[%mul3A_2, %dma_start3A] : memref<10112x128xf32, #tpu.memory_space<vmem_shared>> -> memref<632x128xf32, #tpu.memory_space<vmem_shared>>
      %dma_start3A_16 = arith.constant 0 : i32
      %dma_start3A_17 = tpu.memref_slice %arg5[%mul3A_0, %dma_start3A_16] : memref<10112x128xf32, #tpu.memory_space<hbm>> -> memref<632x128xf32, #tpu.memory_space<hbm>>
      tpu.enqueue_dma source(%dma_start3A_17 : memref<632x128xf32, #tpu.memory_space<hbm>>) target(%dma_start3A_15 : memref<632x128xf32, #tpu.memory_space<vmem_shared>>) target_semaphore(%run_scoped3A : memref<!tpu.dma_semaphore, #tpu.memory_space<semaphore_mem>>)
      %dma_wait3A = arith.constant 0 : i32
      %dma_wait3A_18 = tpu.memref_slice %arg10[%mul3A_2, %dma_wait3A] : memref<10112x128xf32, #tpu.memory_space<vmem_shared>> -> memref<632x128xf32, #tpu.memory_space<vmem_shared>>
      %dma_wait3A_19 = arith.constant 0 : i32
      %dma_wait3A_20 = tpu.memref_slice %arg5[%mul3A_0, %dma_wait3A_19] : memref<10112x128xf32, #tpu.memory_space<hbm>> -> memref<632x128xf32, #tpu.memory_space<hbm>>
      tpu.wait_dma2 semaphore(%run_scoped3A : memref<!tpu.dma_semaphore, #tpu.memory_space<semaphore_mem>>) src(%dma_wait3A_20 : memref<632x128xf32, #tpu.memory_space<hbm>>) dst(%dma_wait3A_18 : memref<632x128xf32, #tpu.memory_space<vmem_shared>>)
      tpu.yield
    }) : () -> ()
    %barrier3A = arith.constant 0 : index
    tpu.barrier barrier_id(%barrier3A)
    %eq3A = arith.constant 0 : i32
    %eq3A_3 = arith.cmpi eq, %arg0, %eq3A : i32
    %convert_element_type3A = arith.extui %eq3A_3 : i1 to i32
    %cond3A = arith.constant 0 : i32
    %cond3A_4 = arith.cmpi ne, %convert_element_type3A, %cond3A : i32
    scf.if %cond3A_4 {
      %dma_start3A = arith.constant 0 : i32
      %dma_start3A_15 = arith.constant 0 : i32
      %dma_start3A_16 = arith.constant 0 : i32
      %dma_start3A_17 = arith.constant 0 : i32
      %dma_start3A_18 = tpu.memref_slice %arg7[%dma_start3A, %dma_start3A_16, %dma_start3A_17] : memref<3x16x128xi32, #tpu.memory_space<vmem>> -> memref<1x16x128xi32, #tpu.memory_space<vmem>>
      %dma_start3A_19 = tpu.memref_squeeze %dma_start3A_18 : memref<1x16x128xi32, #tpu.memory_space<vmem>> -> memref<16x128xi32, #tpu.memory_space<vmem>>
      %dma_start3A_20 = arith.constant 0 : i32
      %dma_start3A_21 = arith.constant 0 : i32
      %dma_start3A_22 = tpu.memref_slice %arg3[%arg1, %dma_start3A_20, %dma_start3A_21] : memref<16x160x128xi32, #tpu.memory_space<hbm>> -> memref<1x16x128xi32, #tpu.memory_space<hbm>>
      %dma_start3A_23 = tpu.memref_squeeze %dma_start3A_22 : memref<1x16x128xi32, #tpu.memory_space<hbm>> -> memref<16x128xi32, #tpu.memory_space<hbm>>
      %dma_start3A_24 = tpu.memref_slice %arg12[%dma_start3A_15] : memref<2x!tpu.dma_semaphore, #tpu.memory_space<semaphore_mem>> -> memref<1x!tpu.dma_semaphore, #tpu.memory_space<semaphore_mem>>
      %dma_start3A_25 = tpu.memref_squeeze %dma_start3A_24 : memref<1x!tpu.dma_semaphore, #tpu.memory_space<semaphore_mem>> -> memref<!tpu.dma_semaphore, #tpu.memory_space<semaphore_mem>>
      %dma_start3A_26 = arith.constant 0 : i32
      %dma_start3A_27 = arith.constant 0 : i32
      %dma_start3A_28 = tpu.memref_slice %arg7[%dma_start3A, %dma_start3A_26, %dma_start3A_27] : memref<3x16x128xi32, #tpu.memory_space<vmem>> -> memref<1x16x128xi32, #tpu.memory_space<vmem>>
      %dma_start3A_29 = tpu.memref_squeeze %dma_start3A_28 : memref<1x16x128xi32, #tpu.memory_space<vmem>> -> memref<16x128xi32, #tpu.memory_space<vmem>>
      %dma_start3A_30 = arith.constant 0 : i32
      %dma_start3A_31 = arith.constant 0 : i32
      %dma_start3A_32 = tpu.memref_slice %arg3[%arg1, %dma_start3A_30, %dma_start3A_31] : memref<16x160x128xi32, #tpu.memory_space<hbm>> -> memref<1x16x128xi32, #tpu.memory_space<hbm>>
      %dma_start3A_33 = tpu.memref_squeeze %dma_start3A_32 : memref<1x16x128xi32, #tpu.memory_space<hbm>> -> memref<16x128xi32, #tpu.memory_space<hbm>>
      tpu.enqueue_dma source(%dma_start3A_33 : memref<16x128xi32, #tpu.memory_space<hbm>>) target(%dma_start3A_29 : memref<16x128xi32, #tpu.memory_space<vmem>>) target_semaphore(%dma_start3A_25 : memref<!tpu.dma_semaphore, #tpu.memory_space<semaphore_mem>>)
      %dma_start3A_34 = arith.constant 0 : i32
      %dma_start3A_35 = arith.constant 1 : i32
      %dma_start3A_36 = arith.constant 0 : i32
      %dma_start3A_37 = arith.constant 0 : i32
      %dma_start3A_38 = tpu.memref_slice %arg8[%dma_start3A_34, %dma_start3A_36, %dma_start3A_37] : memref<3x16x128xi32, #tpu.memory_space<vmem>> -> memref<1x16x128xi32, #tpu.memory_space<vmem>>
      %dma_start3A_39 = tpu.memref_squeeze %dma_start3A_38 : memref<1x16x128xi32, #tpu.memory_space<vmem>> -> memref<16x128xi32, #tpu.memory_space<vmem>>
      %dma_start3A_40 = arith.constant 0 : i32
      %dma_start3A_41 = arith.constant 0 : i32
      %dma_start3A_42 = tpu.memref_slice %arg4[%arg1, %dma_start3A_40, %dma_start3A_41] : memref<16x160x128xi32, #tpu.memory_space<hbm>> -> memref<1x16x128xi32, #tpu.memory_space<hbm>>
      %dma_start3A_43 = tpu.memref_squeeze %dma_start3A_42 : memref<1x16x128xi32, #tpu.memory_space<hbm>> -> memref<16x128xi32, #tpu.memory_space<hbm>>
      %dma_start3A_44 = tpu.memref_slice %arg12[%dma_start3A_35] : memref<2x!tpu.dma_semaphore, #tpu.memory_space<semaphore_mem>> -> memref<1x!tpu.dma_semaphore, #tpu.memory_space<semaphore_mem>>
      %dma_start3A_45 = tpu.memref_squeeze %dma_start3A_44 : memref<1x!tpu.dma_semaphore, #tpu.memory_space<semaphore_mem>> -> memref<!tpu.dma_semaphore, #tpu.memory_space<semaphore_mem>>
      %dma_start3A_46 = arith.constant 0 : i32
      %dma_start3A_47 = arith.constant 0 : i32
      %dma_start3A_48 = tpu.memref_slice %arg8[%dma_start3A_34, %dma_start3A_46, %dma_start3A_47] : memref<3x16x128xi32, #tpu.memory_space<vmem>> -> memref<1x16x128xi32, #tpu.memory_space<vmem>>
      %dma_start3A_49 = tpu.memref_squeeze %dma_start3A_48 : memref<1x16x128xi32, #tpu.memory_space<vmem>> -> memref<16x128xi32, #tpu.memory_space<vmem>>
      %dma_start3A_50 = arith.constant 0 : i32
      %dma_start3A_51 = arith.constant 0 : i32
      %dma_start3A_52 = tpu.memref_slice %arg4[%arg1, %dma_start3A_50, %dma_start3A_51] : memref<16x160x128xi32, #tpu.memory_space<hbm>> -> memref<1x16x128xi32, #tpu.memory_space<hbm>>
      %dma_start3A_53 = tpu.memref_squeeze %dma_start3A_52 : memref<1x16x128xi32, #tpu.memory_space<hbm>> -> memref<16x128xi32, #tpu.memory_space<hbm>>
      tpu.enqueue_dma source(%dma_start3A_53 : memref<16x128xi32, #tpu.memory_space<hbm>>) target(%dma_start3A_49 : memref<16x128xi32, #tpu.memory_space<vmem>>) target_semaphore(%dma_start3A_45 : memref<!tpu.dma_semaphore, #tpu.memory_space<semaphore_mem>>)
      %dma_wait3A = arith.constant 0 : i32
      %dma_wait3A_54 = arith.constant 0 : i32
      %dma_wait3A_55 = arith.constant 0 : i32
      %dma_wait3A_56 = arith.constant 0 : i32
      %dma_wait3A_57 = tpu.memref_slice %arg7[%dma_wait3A, %dma_wait3A_55, %dma_wait3A_56] : memref<3x16x128xi32, #tpu.memory_space<vmem>> -> memref<1x16x128xi32, #tpu.memory_space<vmem>>
      %dma_wait3A_58 = tpu.memref_squeeze %dma_wait3A_57 : memref<1x16x128xi32, #tpu.memory_space<vmem>> -> memref<16x128xi32, #tpu.memory_space<vmem>>
      %dma_wait3A_59 = arith.constant 0 : i32
      %dma_wait3A_60 = arith.constant 0 : i32
      %dma_wait3A_61 = tpu.memref_slice %arg3[%arg1, %dma_wait3A_59, %dma_wait3A_60] : memref<16x160x128xi32, #tpu.memory_space<hbm>> -> memref<1x16x128xi32, #tpu.memory_space<hbm>>
      %dma_wait3A_62 = tpu.memref_squeeze %dma_wait3A_61 : memref<1x16x128xi32, #tpu.memory_space<hbm>> -> memref<16x128xi32, #tpu.memory_space<hbm>>
      %dma_wait3A_63 = tpu.memref_slice %arg12[%dma_wait3A_54] : memref<2x!tpu.dma_semaphore, #tpu.memory_space<semaphore_mem>> -> memref<1x!tpu.dma_semaphore, #tpu.memory_space<semaphore_mem>>
      %dma_wait3A_64 = tpu.memref_squeeze %dma_wait3A_63 : memref<1x!tpu.dma_semaphore, #tpu.memory_space<semaphore_mem>> -> memref<!tpu.dma_semaphore, #tpu.memory_space<semaphore_mem>>
      %dma_wait3A_65 = arith.constant 0 : i32
      %dma_wait3A_66 = arith.constant 0 : i32
      %dma_wait3A_67 = tpu.memref_slice %arg7[%dma_wait3A, %dma_wait3A_65, %dma_wait3A_66] : memref<3x16x128xi32, #tpu.memory_space<vmem>> -> memref<1x16x128xi32, #tpu.memory_space<vmem>>
      %dma_wait3A_68 = tpu.memref_squeeze %dma_wait3A_67 : memref<1x16x128xi32, #tpu.memory_space<vmem>> -> memref<16x128xi32, #tpu.memory_space<vmem>>
      %dma_wait3A_69 = arith.constant 0 : i32
      %dma_wait3A_70 = arith.constant 0 : i32
      %dma_wait3A_71 = tpu.memref_slice %arg3[%arg1, %dma_wait3A_69, %dma_wait3A_70] : memref<16x160x128xi32, #tpu.memory_space<hbm>> -> memref<1x16x128xi32, #tpu.memory_space<hbm>>
      %dma_wait3A_72 = tpu.memref_squeeze %dma_wait3A_71 : memref<1x16x128xi32, #tpu.memory_space<hbm>> -> memref<16x128xi32, #tpu.memory_space<hbm>>
      tpu.wait_dma2 semaphore(%dma_wait3A_64 : memref<!tpu.dma_semaphore, #tpu.memory_space<semaphore_mem>>) src(%dma_wait3A_72 : memref<16x128xi32, #tpu.memory_space<hbm>>) dst(%dma_wait3A_68 : memref<16x128xi32, #tpu.memory_space<vmem>>)
      %dma_wait3A_73 = arith.constant 0 : i32
      %dma_wait3A_74 = arith.constant 1 : i32
      %dma_wait3A_75 = arith.constant 0 : i32
      %dma_wait3A_76 = arith.constant 0 : i32
      %dma_wait3A_77 = tpu.memref_slice %arg8[%dma_wait3A_73, %dma_wait3A_75, %dma_wait3A_76] : memref<3x16x128xi32, #tpu.memory_space<vmem>> -> memref<1x16x128xi32, #tpu.memory_space<vmem>>
      %dma_wait3A_78 = tpu.memref_squeeze %dma_wait3A_77 : memref<1x16x128xi32, #tpu.memory_space<vmem>> -> memref<16x128xi32, #tpu.memory_space<vmem>>
      %dma_wait3A_79 = arith.constant 0 : i32
      %dma_wait3A_80 = arith.constant 0 : i32
      %dma_wait3A_81 = tpu.memref_slice %arg4[%arg1, %dma_wait3A_79, %dma_wait3A_80] : memref<16x160x128xi32, #tpu.memory_space<hbm>> -> memref<1x16x128xi32, #tpu.memory_space<hbm>>
      %dma_wait3A_82 = tpu.memref_squeeze %dma_wait3A_81 : memref<1x16x128xi32, #tpu.memory_space<hbm>> -> memref<16x128xi32, #tpu.memory_space<hbm>>
      %dma_wait3A_83 = tpu.memref_slice %arg12[%dma_wait3A_74] : memref<2x!tpu.dma_semaphore, #tpu.memory_space<semaphore_mem>> -> memref<1x!tpu.dma_semaphore, #tpu.memory_space<semaphore_mem>>
      %dma_wait3A_84 = tpu.memref_squeeze %dma_wait3A_83 : memref<1x!tpu.dma_semaphore, #tpu.memory_space<semaphore_mem>> -> memref<!tpu.dma_semaphore, #tpu.memory_space<semaphore_mem>>
      %dma_wait3A_85 = arith.constant 0 : i32
      %dma_wait3A_86 = arith.constant 0 : i32
      %dma_wait3A_87 = tpu.memref_slice %arg8[%dma_wait3A_73, %dma_wait3A_85, %dma_wait3A_86] : memref<3x16x128xi32, #tpu.memory_space<vmem>> -> memref<1x16x128xi32, #tpu.memory_space<vmem>>
      %dma_wait3A_88 = tpu.memref_squeeze %dma_wait3A_87 : memref<1x16x128xi32, #tpu.memory_space<vmem>> -> memref<16x128xi32, #tpu.memory_space<vmem>>
      %dma_wait3A_89 = arith.constant 0 : i32
      %dma_wait3A_90 = arith.constant 0 : i32
      %dma_wait3A_91 = tpu.memref_slice %arg4[%arg1, %dma_wait3A_89, %dma_wait3A_90] : memref<16x160x128xi32, #tpu.memory_space<hbm>> -> memref<1x16x128xi32, #tpu.memory_space<hbm>>
      %dma_wait3A_92 = tpu.memref_squeeze %dma_wait3A_91 : memref<1x16x128xi32, #tpu.memory_space<hbm>> -> memref<16x128xi32, #tpu.memory_space<hbm>>
      tpu.wait_dma2 semaphore(%dma_wait3A_84 : memref<!tpu.dma_semaphore, #tpu.memory_space<semaphore_mem>>) src(%dma_wait3A_92 : memref<16x128xi32, #tpu.memory_space<hbm>>) dst(%dma_wait3A_88 : memref<16x128xi32, #tpu.memory_space<vmem>>)
      %dma_start3A_93 = arith.constant 1 : i32
      %dma_start3A_94 = arith.constant 0 : i32
      %dma_start3A_95 = arith.constant 0 : i32
      %dma_start3A_96 = arith.constant 0 : i32
      %dma_start3A_97 = tpu.memref_slice %arg7[%dma_start3A_93, %dma_start3A_95, %dma_start3A_96] : memref<3x16x128xi32, #tpu.memory_space<vmem>> -> memref<1x16x128xi32, #tpu.memory_space<vmem>>
      %dma_start3A_98 = tpu.memref_squeeze %dma_start3A_97 : memref<1x16x128xi32, #tpu.memory_space<vmem>> -> memref<16x128xi32, #tpu.memory_space<vmem>>
      %dma_start3A_99 = arith.constant 16 : i32
      %dma_start3A_100 = arith.constant 0 : i32
      %dma_start3A_101 = tpu.memref_slice %arg3[%arg1, %dma_start3A_99, %dma_start3A_100] : memref<16x160x128xi32, #tpu.memory_space<hbm>> -> memref<1x16x128xi32, #tpu.memory_space<hbm>>
      %dma_start3A_102 = tpu.memref_squeeze %dma_start3A_101 : memref<1x16x128xi32, #tpu.memory_space<hbm>> -> memref<16x128xi32, #tpu.memory_space<hbm>>
      %dma_start3A_103 = tpu.memref_slice %arg12[%dma_start3A_94] : memref<2x!tpu.dma_semaphore, #tpu.memory_space<semaphore_mem>> -> memref<1x!tpu.dma_semaphore, #tpu.memory_space<semaphore_mem>>
      %dma_start3A_104 = tpu.memref_squeeze %dma_start3A_103 : memref<1x!tpu.dma_semaphore, #tpu.memory_space<semaphore_mem>> -> memref<!tpu.dma_semaphore, #tpu.memory_space<semaphore_mem>>
      %dma_start3A_105 = arith.constant 0 : i32
      %dma_start3A_106 = arith.constant 0 : i32
      %dma_start3A_107 = tpu.memref_slice %arg7[%dma_start3A_93, %dma_start3A_105, %dma_start3A_106] : memref<3x16x128xi32, #tpu.memory_space<vmem>> -> memref<1x16x128xi32, #tpu.memory_space<vmem>>
      %dma_start3A_108 = tpu.memref_squeeze %dma_start3A_107 : memref<1x16x128xi32, #tpu.memory_space<vmem>> -> memref<16x128xi32, #tpu.memory_space<vmem>>
      %dma_start3A_109 = arith.constant 16 : i32
      %dma_start3A_110 = arith.constant 0 : i32
      %dma_start3A_111 = tpu.memref_slice %arg3[%arg1, %dma_start3A_109, %dma_start3A_110] : memref<16x160x128xi32, #tpu.memory_space<hbm>> -> memref<1x16x128xi32, #tpu.memory_space<hbm>>
      %dma_start3A_112 = tpu.memref_squeeze %dma_start3A_111 : memref<1x16x128xi32, #tpu.memory_space<hbm>> -> memref<16x128xi32, #tpu.memory_space<hbm>>
      tpu.enqueue_dma source(%dma_start3A_112 : memref<16x128xi32, #tpu.memory_space<hbm>>) target(%dma_start3A_108 : memref<16x128xi32, #tpu.memory_space<vmem>>) target_semaphore(%dma_start3A_104 : memref<!tpu.dma_semaphore, #tpu.memory_space<semaphore_mem>>)
      %dma_start3A_113 = arith.constant 1 : i32
      %dma_start3A_114 = arith.constant 1 : i32
      %dma_start3A_115 = arith.constant 0 : i32
      %dma_start3A_116 = arith.constant 0 : i32
      %dma_start3A_117 = tpu.memref_slice %arg8[%dma_start3A_113, %dma_start3A_115, %dma_start3A_116] : memref<3x16x128xi32, #tpu.memory_space<vmem>> -> memref<1x16x128xi32, #tpu.memory_space<vmem>>
      %dma_start3A_118 = tpu.memref_squeeze %dma_start3A_117 : memref<1x16x128xi32, #tpu.memory_space<vmem>> -> memref<16x128xi32, #tpu.memory_space<vmem>>
      %dma_start3A_119 = arith.constant 16 : i32
      %dma_start3A_120 = arith.constant 0 : i32
      %dma_start3A_121 = tpu.memref_slice %arg4[%arg1, %dma_start3A_119, %dma_start3A_120] : memref<16x160x128xi32, #tpu.memory_space<hbm>> -> memref<1x16x128xi32, #tpu.memory_space<hbm>>
      %dma_start3A_122 = tpu.memref_squeeze %dma_start3A_121 : memref<1x16x128xi32, #tpu.memory_space<hbm>> -> memref<16x128xi32, #tpu.memory_space<hbm>>
      %dma_start3A_123 = tpu.memref_slice %arg12[%dma_start3A_114] : memref<2x!tpu.dma_semaphore, #tpu.memory_space<semaphore_mem>> -> memref<1x!tpu.dma_semaphore, #tpu.memory_space<semaphore_mem>>
      %dma_start3A_124 = tpu.memref_squeeze %dma_start3A_123 : memref<1x!tpu.dma_semaphore, #tpu.memory_space<semaphore_mem>> -> memref<!tpu.dma_semaphore, #tpu.memory_space<semaphore_mem>>
      %dma_start3A_125 = arith.constant 0 : i32
      %dma_start3A_126 = arith.constant 0 : i32
      %dma_start3A_127 = tpu.memref_slice %arg8[%dma_start3A_113, %dma_start3A_125, %dma_start3A_126] : memref<3x16x128xi32, #tpu.memory_space<vmem>> -> memref<1x16x128xi32, #tpu.memory_space<vmem>>
      %dma_start3A_128 = tpu.memref_squeeze %dma_start3A_127 : memref<1x16x128xi32, #tpu.memory_space<vmem>> -> memref<16x128xi32, #tpu.memory_space<vmem>>
      %dma_start3A_129 = arith.constant 16 : i32
      %dma_start3A_130 = arith.constant 0 : i32
      %dma_start3A_131 = tpu.memref_slice %arg4[%arg1, %dma_start3A_129, %dma_start3A_130] : memref<16x160x128xi32, #tpu.memory_space<hbm>> -> memref<1x16x128xi32, #tpu.memory_space<hbm>>
      %dma_start3A_132 = tpu.memref_squeeze %dma_start3A_131 : memref<1x16x128xi32, #tpu.memory_space<hbm>> -> memref<16x128xi32, #tpu.memory_space<hbm>>
      tpu.enqueue_dma source(%dma_start3A_132 : memref<16x128xi32, #tpu.memory_space<hbm>>) target(%dma_start3A_128 : memref<16x128xi32, #tpu.memory_space<vmem>>) target_semaphore(%dma_start3A_124 : memref<!tpu.dma_semaphore, #tpu.memory_space<semaphore_mem>>)
      %dma_start3A_133 = arith.constant 0 : i32
      %dma_start3A_134 = arith.constant 0 : i32
      %dma_start3A_135 = arith.constant 0 : i32
      %dma_start3A_136 = arith.constant 0 : i32
      %dma_start3A_137 = arith.constant 0 : i32
      %dma_start3A_138 = arith.constant 0 : i32
      %dma_start3A_139 = tpu.memref_slice %arg9[%dma_start3A_135, %dma_start3A_137, %dma_start3A_138] : memref<2x128x128xf32, #tpu.memory_space<vmem>> -> memref<1x128x128xf32, #tpu.memory_space<vmem>>
      %dma_start3A_140 = tpu.memref_squeeze %dma_start3A_139 : memref<1x128x128xf32, #tpu.memory_space<vmem>> -> memref<128x128xf32, #tpu.memory_space<vmem>>
      %dma_start3A_141 = arith.constant 0 : i32
      %dma_start3A_142 = tpu.memref_slice %arg7[%dma_start3A_133, %dma_start3A_134, %dma_start3A_141] : memref<3x16x128xi32, #tpu.memory_space<vmem>> -> memref<1x1x128xi32, #tpu.memory_space<vmem>>
      %dma_start3A_143 = tpu.memref_squeeze %dma_start3A_142 : memref<1x1x128xi32, #tpu.memory_space<vmem>> -> memref<128xi32, #tpu.memory_space<vmem>>
      %dma_start3A_144 = arith.constant 0 : i32
      %dma_start3A_145 = arith.constant 0 : i32
      %dma_start3A_146 = tpu.memref_slice %arg2[%dma_start3A_144, %dma_start3A_145] : memref<10000x128xf32, #tpu.memory_space<hbm>> -> memref<10000x128xf32, #tpu.memory_space<hbm>>
      %dma_start3A_147 = tpu.memref_slice %arg11[%dma_start3A_136] : memref<2x!tpu.dma_semaphore, #tpu.memory_space<semaphore_mem>> -> memref<1x!tpu.dma_semaphore, #tpu.memory_space<semaphore_mem>>
      %dma_start3A_148 = tpu.memref_squeeze %dma_start3A_147 : memref<1x!tpu.dma_semaphore, #tpu.memory_space<semaphore_mem>> -> memref<!tpu.dma_semaphore, #tpu.memory_space<semaphore_mem>>
      tpu.enqueue_indirect_dma source(%dma_start3A_146 : memref<10000x128xf32, #tpu.memory_space<hbm>>) target(%dma_start3A_140 : memref<128x128xf32, #tpu.memory_space<vmem>>) offsets(%dma_start3A_143 : memref<128xi32, #tpu.memory_space<vmem>>) semaphore(%dma_start3A_148 : memref<!tpu.dma_semaphore, #tpu.memory_space<semaphore_mem>>)
      %scan3A = arith.constant 0 : i32
      %scan3A_149 = arith.constant 0 : i32
      %scan3A_150 = arith.constant 80 : i32
      %scan3A_151 = arith.addi %scan3A_149, %scan3A_150 : i32
      %scan3A_152 = arith.constant 1 : i32
      %scan3A_153 = scf.for %scan3A_155 = %scan3A_149 to %scan3A_151 step %scan3A_152 iter_args(%scan3A_156 = %scan3A) -> (i32)  : i32 {
        %rem3A = arith.constant 2 : i32
        %rem3A_157 = arith.remsi %scan3A_155, %rem3A : i32
        %add3A = arith.constant 2 : i32
        %add3A_158 = arith.addi %scan3A_155, %add3A : i32
        %sub3A = arith.constant 1 : i32
        %sub3A_159 = arith.subi %add3A_158, %sub3A : i32
        %jit3A = arith.constant 16 : i32
        %div3A = arith.divsi %sub3A_159, %jit3A : i32
        %sign3A = arith.constant 0 : i32
        %sign3A_160 = arith.cmpi sgt, %sub3A_159, %sign3A : i32
        %sign3A_161 = arith.extui %sign3A_160 : i1 to i32
        %sign3A_162 = arith.constant 0 : i32
        %sign3A_163 = arith.cmpi slt, %sub3A_159, %sign3A_162 : i32
        %sign3A_164 = arith.extui %sign3A_163 : i1 to i32
        %sign3A_165 = arith.subi %sign3A_161, %sign3A_164 : i32
        %sign3A_166 = arith.constant 0 : i32
        %sign3A_167 = arith.cmpi sgt, %jit3A, %sign3A_166 : i32
        %sign3A_168 = arith.extui %sign3A_167 : i1 to i32
        %sign3A_169 = arith.constant 0 : i32
        %sign3A_170 = arith.cmpi slt, %jit3A, %sign3A_169 : i32
        %sign3A_171 = arith.extui %sign3A_170 : i1 to i32
        %sign3A_172 = arith.subi %sign3A_168, %sign3A_171 : i32
        %ne3A = arith.cmpi ne, %sign3A_165, %sign3A_172 : i32
        %rem3A_173 = arith.remsi %sub3A_159, %jit3A : i32
        %ne3A_174 = arith.constant 0 : i32
        %ne3A_175 = arith.cmpi ne, %rem3A_173, %ne3A_174 : i32
        %and3A = arith.andi %ne3A, %ne3A_175 : i1
        %sub3A_176 = arith.constant 1 : i32
        %sub3A_177 = arith.subi %div3A, %sub3A_176 : i32
        %select_n3A = arith.select %and3A, %sub3A_177, %div3A : i32
        %lt3A = arith.constant 80 : i32
        %lt3A_178 = arith.cmpi slt, %sub3A_159, %lt3A : i32
        %rem3A_179 = arith.constant 16 : i32
        %rem3A_180 = arith.remsi %sub3A_159, %rem3A_179 : i32
        %eq3A_181 = arith.constant 0 : i32
        %eq3A_182 = arith.cmpi eq, %rem3A_180, %eq3A_181 : i32
        %and3A_183 = arith.andi %lt3A_178, %eq3A_182 : i1
        %convert_element_type3A_184 = arith.extui %and3A_183 : i1 to i32
        %cond3A_185 = arith.constant 0 : i32
        %cond3A_186 = arith.cmpi ne, %convert_element_type3A_184, %cond3A_185 : i32
        scf.if %cond3A_186 {
          %rem3A_235 = arith.constant 3 : i32
          %rem3A_236 = arith.remsi %select_n3A, %rem3A_235 : i32
          %dma_wait3A_237 = arith.constant 0 : i32
          %dma_wait3A_238 = arith.constant 0 : i32
          %dma_wait3A_239 = arith.constant 0 : i32
          %dma_wait3A_240 = tpu.memref_slice %arg7[%rem3A_236, %dma_wait3A_238, %dma_wait3A_239] : memref<3x16x128xi32, #tpu.memory_space<vmem>> -> memref<1x16x128xi32, #tpu.memory_space<vmem>>
          %dma_wait3A_241 = tpu.memref_squeeze %dma_wait3A_240 : memref<1x16x128xi32, #tpu.memory_space<vmem>> -> memref<16x128xi32, #tpu.memory_space<vmem>>
          %dma_wait3A_242 = arith.constant 0 : i32
          %dma_wait3A_243 = arith.constant 0 : i32
          %dma_wait3A_244 = tpu.memref_slice %arg3[%arg1, %dma_wait3A_242, %dma_wait3A_243] : memref<16x160x128xi32, #tpu.memory_space<hbm>> -> memref<1x16x128xi32, #tpu.memory_space<hbm>>
          %dma_wait3A_245 = tpu.memref_squeeze %dma_wait3A_244 : memref<1x16x128xi32, #tpu.memory_space<hbm>> -> memref<16x128xi32, #tpu.memory_space<hbm>>
          %dma_wait3A_246 = tpu.memref_slice %arg12[%dma_wait3A_237] : memref<2x!tpu.dma_semaphore, #tpu.memory_space<semaphore_mem>> -> memref<1x!tpu.dma_semaphore, #tpu.memory_space<semaphore_mem>>
          %dma_wait3A_247 = tpu.memref_squeeze %dma_wait3A_246 : memref<1x!tpu.dma_semaphore, #tpu.memory_space<semaphore_mem>> -> memref<!tpu.dma_semaphore, #tpu.memory_space<semaphore_mem>>
          %dma_wait3A_248 = arith.constant 0 : i32
          %dma_wait3A_249 = arith.constant 0 : i32
          %dma_wait3A_250 = tpu.memref_slice %arg7[%rem3A_236, %dma_wait3A_248, %dma_wait3A_249] : memref<3x16x128xi32, #tpu.memory_space<vmem>> -> memref<1x16x128xi32, #tpu.memory_space<vmem>>
          %dma_wait3A_251 = tpu.memref_squeeze %dma_wait3A_250 : memref<1x16x128xi32, #tpu.memory_space<vmem>> -> memref<16x128xi32, #tpu.memory_space<vmem>>
          %dma_wait3A_252 = arith.constant 0 : i32
          %dma_wait3A_253 = arith.constant 0 : i32
          %dma_wait3A_254 = tpu.memref_slice %arg3[%arg1, %dma_wait3A_252, %dma_wait3A_253] : memref<16x160x128xi32, #tpu.memory_space<hbm>> -> memref<1x16x128xi32, #tpu.memory_space<hbm>>
          %dma_wait3A_255 = tpu.memref_squeeze %dma_wait3A_254 : memref<1x16x128xi32, #tpu.memory_space<hbm>> -> memref<16x128xi32, #tpu.memory_space<hbm>>
          tpu.wait_dma2 semaphore(%dma_wait3A_247 : memref<!tpu.dma_semaphore, #tpu.memory_space<semaphore_mem>>) src(%dma_wait3A_255 : memref<16x128xi32, #tpu.memory_space<hbm>>) dst(%dma_wait3A_251 : memref<16x128xi32, #tpu.memory_space<vmem>>)
          %dma_wait3A_256 = arith.constant 1 : i32
          %dma_wait3A_257 = arith.constant 0 : i32
          %dma_wait3A_258 = arith.constant 0 : i32
          %dma_wait3A_259 = tpu.memref_slice %arg8[%rem3A_236, %dma_wait3A_257, %dma_wait3A_258] : memref<3x16x128xi32, #tpu.memory_space<vmem>> -> memref<1x16x128xi32, #tpu.memory_space<vmem>>
          %dma_wait3A_260 = tpu.memref_squeeze %dma_wait3A_259 : memref<1x16x128xi32, #tpu.memory_space<vmem>> -> memref<16x128xi32, #tpu.memory_space<vmem>>
          %dma_wait3A_261 = arith.constant 0 : i32
          %dma_wait3A_262 = arith.constant 0 : i32
          %dma_wait3A_263 = tpu.memref_slice %arg4[%arg1, %dma_wait3A_261, %dma_wait3A_262] : memref<16x160x128xi32, #tpu.memory_space<hbm>> -> memref<1x16x128xi32, #tpu.memory_space<hbm>>
          %dma_wait3A_264 = tpu.memref_squeeze %dma_wait3A_263 : memref<1x16x128xi32, #tpu.memory_space<hbm>> -> memref<16x128xi32, #tpu.memory_space<hbm>>
          %dma_wait3A_265 = tpu.memref_slice %arg12[%dma_wait3A_256] : memref<2x!tpu.dma_semaphore, #tpu.memory_space<semaphore_mem>> -> memref<1x!tpu.dma_semaphore, #tpu.memory_space<semaphore_mem>>
          %dma_wait3A_266 = tpu.memref_squeeze %dma_wait3A_265 : memref<1x!tpu.dma_semaphore, #tpu.memory_space<semaphore_mem>> -> memref<!tpu.dma_semaphore, #tpu.memory_space<semaphore_mem>>
          %dma_wait3A_267 = arith.constant 0 : i32
          %dma_wait3A_268 = arith.constant 0 : i32
          %dma_wait3A_269 = tpu.memref_slice %arg8[%rem3A_236, %dma_wait3A_267, %dma_wait3A_268] : memref<3x16x128xi32, #tpu.memory_space<vmem>> -> memref<1x16x128xi32, #tpu.memory_space<vmem>>
          %dma_wait3A_270 = tpu.memref_squeeze %dma_wait3A_269 : memref<1x16x128xi32, #tpu.memory_space<vmem>> -> memref<16x128xi32, #tpu.memory_space<vmem>>
          %dma_wait3A_271 = arith.constant 0 : i32
          %dma_wait3A_272 = arith.constant 0 : i32
          %dma_wait3A_273 = tpu.memref_slice %arg4[%arg1, %dma_wait3A_271, %dma_wait3A_272] : memref<16x160x128xi32, #tpu.memory_space<hbm>> -> memref<1x16x128xi32, #tpu.memory_space<hbm>>
          %dma_wait3A_274 = tpu.memref_squeeze %dma_wait3A_273 : memref<1x16x128xi32, #tpu.memory_space<hbm>> -> memref<16x128xi32, #tpu.memory_space<hbm>>
          tpu.wait_dma2 semaphore(%dma_wait3A_266 : memref<!tpu.dma_semaphore, #tpu.memory_space<semaphore_mem>>) src(%dma_wait3A_274 : memref<16x128xi32, #tpu.memory_space<hbm>>) dst(%dma_wait3A_270 : memref<16x128xi32, #tpu.memory_space<vmem>>)
          %add3A_275 = arith.constant 1 : i32
          %add3A_276 = arith.addi %select_n3A, %add3A_275 : i32
          %lt3A_277 = arith.constant 5 : i32
          %lt3A_278 = arith.cmpi slt, %add3A_276, %lt3A_277 : i32
          %convert_element_type3A_279 = arith.extui %lt3A_278 : i1 to i32
          %cond3A_280 = arith.constant 0 : i32
          %cond3A_281 = arith.cmpi ne, %convert_element_type3A_279, %cond3A_280 : i32
          scf.if %cond3A_281 {
            %add3A_282 = arith.constant 1 : i32
            %add3A_283 = arith.addi %select_n3A, %add3A_282 : i32
            %add3A_284 = arith.constant 1 : i32
            %add3A_285 = arith.addi %select_n3A, %add3A_284 : i32
            %rem3A_286 = arith.constant 3 : i32
            %rem3A_287 = arith.remsi %add3A_285, %rem3A_286 : i32
            %mul3A_288 = arith.constant 16 : i32
            %mul3A_289 = arith.muli %add3A_283, %mul3A_288 : i32
            %add3A_290 = arith.constant 0 : i32
            %add3A_291 = arith.addi %add3A_290, %mul3A_289 : i32
            %dma_start3A_292 = arith.constant 0 : i32
            %dma_start3A_293 = arith.constant 0 : i32
            %dma_start3A_294 = arith.constant 0 : i32
            %dma_start3A_295 = tpu.memref_slice %arg7[%rem3A_287, %dma_start3A_293, %dma_start3A_294] : memref<3x16x128xi32, #tpu.memory_space<vmem>> -> memref<1x16x128xi32, #tpu.memory_space<vmem>>
            %dma_start3A_296 = tpu.memref_squeeze %dma_start3A_295 : memref<1x16x128xi32, #tpu.memory_space<vmem>> -> memref<16x128xi32, #tpu.memory_space<vmem>>
            %dma_start3A_297 = arith.constant 0 : i32
            %dma_start3A_298 = tpu.memref_slice %arg3[%arg1, %add3A_291, %dma_start3A_297] : memref<16x160x128xi32, #tpu.memory_space<hbm>> -> memref<1x16x128xi32, #tpu.memory_space<hbm>>
            %dma_start3A_299 = tpu.memref_squeeze %dma_start3A_298 : memref<1x16x128xi32, #tpu.memory_space<hbm>> -> memref<16x128xi32, #tpu.memory_space<hbm>>
            %dma_start3A_300 = tpu.memref_slice %arg12[%dma_start3A_292] : memref<2x!tpu.dma_semaphore, #tpu.memory_space<semaphore_mem>> -> memref<1x!tpu.dma_semaphore, #tpu.memory_space<semaphore_mem>>
            %dma_start3A_301 = tpu.memref_squeeze %dma_start3A_300 : memref<1x!tpu.dma_semaphore, #tpu.memory_space<semaphore_mem>> -> memref<!tpu.dma_semaphore, #tpu.memory_space<semaphore_mem>>
            %dma_start3A_302 = arith.constant 0 : i32
            %dma_start3A_303 = arith.constant 0 : i32
            %dma_start3A_304 = tpu.memref_slice %arg7[%rem3A_287, %dma_start3A_302, %dma_start3A_303] : memref<3x16x128xi32, #tpu.memory_space<vmem>> -> memref<1x16x128xi32, #tpu.memory_space<vmem>>
            %dma_start3A_305 = tpu.memref_squeeze %dma_start3A_304 : memref<1x16x128xi32, #tpu.memory_space<vmem>> -> memref<16x128xi32, #tpu.memory_space<vmem>>
            %dma_start3A_306 = arith.constant 0 : i32
            %dma_start3A_307 = tpu.memref_slice %arg3[%arg1, %add3A_291, %dma_start3A_306] : memref<16x160x128xi32, #tpu.memory_space<hbm>> -> memref<1x16x128xi32, #tpu.memory_space<hbm>>
            %dma_start3A_308 = tpu.memref_squeeze %dma_start3A_307 : memref<1x16x128xi32, #tpu.memory_space<hbm>> -> memref<16x128xi32, #tpu.memory_space<hbm>>
            tpu.enqueue_dma source(%dma_start3A_308 : memref<16x128xi32, #tpu.memory_space<hbm>>) target(%dma_start3A_305 : memref<16x128xi32, #tpu.memory_space<vmem>>) target_semaphore(%dma_start3A_301 : memref<!tpu.dma_semaphore, #tpu.memory_space<semaphore_mem>>)
            %mul3A_309 = arith.constant 16 : i32
            %mul3A_310 = arith.muli %add3A_283, %mul3A_309 : i32
            %add3A_311 = arith.constant 0 : i32
            %add3A_312 = arith.addi %add3A_311, %mul3A_310 : i32
            %dma_start3A_313 = arith.constant 1 : i32
            %dma_start3A_314 = arith.constant 0 : i32
            %dma_start3A_315 = arith.constant 0 : i32
            %dma_start3A_316 = tpu.memref_slice %arg8[%rem3A_287, %dma_start3A_314, %dma_start3A_315] : memref<3x16x128xi32, #tpu.memory_space<vmem>> -> memref<1x16x128xi32, #tpu.memory_space<vmem>>
            %dma_start3A_317 = tpu.memref_squeeze %dma_start3A_316 : memref<1x16x128xi32, #tpu.memory_space<vmem>> -> memref<16x128xi32, #tpu.memory_space<vmem>>
            %dma_start3A_318 = arith.constant 0 : i32
            %dma_start3A_319 = tpu.memref_slice %arg4[%arg1, %add3A_312, %dma_start3A_318] : memref<16x160x128xi32, #tpu.memory_space<hbm>> -> memref<1x16x128xi32, #tpu.memory_space<hbm>>
            %dma_start3A_320 = tpu.memref_squeeze %dma_start3A_319 : memref<1x16x128xi32, #tpu.memory_space<hbm>> -> memref<16x128xi32, #tpu.memory_space<hbm>>
            %dma_start3A_321 = tpu.memref_slice %arg12[%dma_start3A_313] : memref<2x!tpu.dma_semaphore, #tpu.memory_space<semaphore_mem>> -> memref<1x!tpu.dma_semaphore, #tpu.memory_space<semaphore_mem>>
            %dma_start3A_322 = tpu.memref_squeeze %dma_start3A_321 : memref<1x!tpu.dma_semaphore, #tpu.memory_space<semaphore_mem>> -> memref<!tpu.dma_semaphore, #tpu.memory_space<semaphore_mem>>
            %dma_start3A_323 = arith.constant 0 : i32
            %dma_start3A_324 = arith.constant 0 : i32
            %dma_start3A_325 = tpu.memref_slice %arg8[%rem3A_287, %dma_start3A_323, %dma_start3A_324] : memref<3x16x128xi32, #tpu.memory_space<vmem>> -> memref<1x16x128xi32, #tpu.memory_space<vmem>>
            %dma_start3A_326 = tpu.memref_squeeze %dma_start3A_325 : memref<1x16x128xi32, #tpu.memory_space<vmem>> -> memref<16x128xi32, #tpu.memory_space<vmem>>
            %dma_start3A_327 = arith.constant 0 : i32
            %dma_start3A_328 = tpu.memref_slice %arg4[%arg1, %add3A_312, %dma_start3A_327] : memref<16x160x128xi32, #tpu.memory_space<hbm>> -> memref<1x16x128xi32, #tpu.memory_space<hbm>>
            %dma_start3A_329 = tpu.memref_squeeze %dma_start3A_328 : memref<1x16x128xi32, #tpu.memory_space<hbm>> -> memref<16x128xi32, #tpu.memory_space<hbm>>
            tpu.enqueue_dma source(%dma_start3A_329 : memref<16x128xi32, #tpu.memory_space<hbm>>) target(%dma_start3A_326 : memref<16x128xi32, #tpu.memory_space<vmem>>) target_semaphore(%dma_start3A_322 : memref<!tpu.dma_semaphore, #tpu.memory_space<semaphore_mem>>)
          } else {
          }
        } else {
        }
        %lt3A_187 = arith.constant 80 : i32
        %lt3A_188 = arith.cmpi slt, %sub3A_159, %lt3A_187 : i32
        %convert_element_type3A_189 = arith.extui %lt3A_188 : i1 to i32
        %cond3A_190 = arith.constant 0 : i32
        %cond3A_191 = arith.cmpi ne, %convert_element_type3A_189, %cond3A_190 : i32
        scf.if %cond3A_191 {
          %rem3A_235 = arith.constant 3 : i32
          %rem3A_236 = arith.remsi %select_n3A, %rem3A_235 : i32
          %rem3A_237 = arith.constant 16 : i32
          %rem3A_238 = arith.remsi %sub3A_159, %rem3A_237 : i32
          %rem3A_239 = arith.constant 2 : i32
          %rem3A_240 = arith.remsi %sub3A_159, %rem3A_239 : i32
          %rem3A_241 = arith.constant 2 : i32
          %rem3A_242 = arith.remsi %sub3A_159, %rem3A_241 : i32
          %dma_start3A_243 = arith.constant 0 : i32
          %dma_start3A_244 = arith.constant 0 : i32
          %dma_start3A_245 = tpu.memref_slice %arg9[%rem3A_240, %dma_start3A_243, %dma_start3A_244] : memref<2x128x128xf32, #tpu.memory_space<vmem>> -> memref<1x128x128xf32, #tpu.memory_space<vmem>>
          %dma_start3A_246 = tpu.memref_squeeze %dma_start3A_245 : memref<1x128x128xf32, #tpu.memory_space<vmem>> -> memref<128x128xf32, #tpu.memory_space<vmem>>
          %dma_start3A_247 = arith.constant 0 : i32
          %dma_start3A_248 = tpu.memref_slice %arg7[%rem3A_236, %rem3A_238, %dma_start3A_247] : memref<3x16x128xi32, #tpu.memory_space<vmem>> -> memref<1x1x128xi32, #tpu.memory_space<vmem>>
          %dma_start3A_249 = tpu.memref_squeeze %dma_start3A_248 : memref<1x1x128xi32, #tpu.memory_space<vmem>> -> memref<128xi32, #tpu.memory_space<vmem>>
          %dma_start3A_250 = arith.constant 0 : i32
          %dma_start3A_251 = arith.constant 0 : i32
          %dma_start3A_252 = tpu.memref_slice %arg2[%dma_start3A_250, %dma_start3A_251] : memref<10000x128xf32, #tpu.memory_space<hbm>> -> memref<10000x128xf32, #tpu.memory_space<hbm>>
          %dma_start3A_253 = tpu.memref_slice %arg11[%rem3A_242] : memref<2x!tpu.dma_semaphore, #tpu.memory_space<semaphore_mem>> -> memref<1x!tpu.dma_semaphore, #tpu.memory_space<semaphore_mem>>
          %dma_start3A_254 = tpu.memref_squeeze %dma_start3A_253 : memref<1x!tpu.dma_semaphore, #tpu.memory_space<semaphore_mem>> -> memref<!tpu.dma_semaphore, #tpu.memory_space<semaphore_mem>>
          tpu.enqueue_indirect_dma source(%dma_start3A_252 : memref<10000x128xf32, #tpu.memory_space<hbm>>) target(%dma_start3A_246 : memref<128x128xf32, #tpu.memory_space<vmem>>) offsets(%dma_start3A_249 : memref<128xi32, #tpu.memory_space<vmem>>) semaphore(%dma_start3A_254 : memref<!tpu.dma_semaphore, #tpu.memory_space<semaphore_mem>>)
        } else {
        }
        %dma_wait3A_192 = arith.constant 0 : i32
        %dma_wait3A_193 = arith.constant 0 : i32
        %dma_wait3A_194 = arith.constant 0 : i32
        %dma_wait3A_195 = arith.constant 0 : i32
        %dma_wait3A_196 = tpu.memref_slice %arg9[%rem3A_157, %dma_wait3A_194, %dma_wait3A_195] : memref<2x128x128xf32, #tpu.memory_space<vmem>> -> memref<1x128x128xf32, #tpu.memory_space<vmem>>
        %dma_wait3A_197 = tpu.memref_squeeze %dma_wait3A_196 : memref<1x128x128xf32, #tpu.memory_space<vmem>> -> memref<128x128xf32, #tpu.memory_space<vmem>>
        %dma_wait3A_198 = arith.constant 0 : i32
        %dma_wait3A_199 = tpu.memref_slice %arg7[%dma_wait3A_192, %dma_wait3A_193, %dma_wait3A_198] : memref<3x16x128xi32, #tpu.memory_space<vmem>> -> memref<1x1x128xi32, #tpu.memory_space<vmem>>
        %dma_wait3A_200 = tpu.memref_squeeze %dma_wait3A_199 : memref<1x1x128xi32, #tpu.memory_space<vmem>> -> memref<128xi32, #tpu.memory_space<vmem>>
        %dma_wait3A_201 = arith.constant 0 : i32
        %dma_wait3A_202 = arith.constant 0 : i32
        %dma_wait3A_203 = tpu.memref_slice %arg2[%dma_wait3A_201, %dma_wait3A_202] : memref<10000x128xf32, #tpu.memory_space<hbm>> -> memref<10000x128xf32, #tpu.memory_space<hbm>>
        %dma_wait3A_204 = tpu.memref_slice %arg11[%rem3A_157] : memref<2x!tpu.dma_semaphore, #tpu.memory_space<semaphore_mem>> -> memref<1x!tpu.dma_semaphore, #tpu.memory_space<semaphore_mem>>
        %dma_wait3A_205 = tpu.memref_squeeze %dma_wait3A_204 : memref<1x!tpu.dma_semaphore, #tpu.memory_space<semaphore_mem>> -> memref<!tpu.dma_semaphore, #tpu.memory_space<semaphore_mem>>
        tpu.wait_indirect_dma semaphore(%dma_wait3A_205 : memref<!tpu.dma_semaphore, #tpu.memory_space<semaphore_mem>>) src(%dma_wait3A_203 : memref<10000x128xf32, #tpu.memory_space<hbm>>) dst(%dma_wait3A_197 : memref<128x128xf32, #tpu.memory_space<vmem>>)
        %jit3A_206 = arith.constant 16 : i32
        %div3A_207 = arith.divsi %scan3A_155, %jit3A_206 : i32
        %sign3A_208 = arith.constant 0 : i32
        %sign3A_209 = arith.cmpi sgt, %scan3A_155, %sign3A_208 : i32
        %sign3A_210 = arith.extui %sign3A_209 : i1 to i32
        %sign3A_211 = arith.constant 0 : i32
        %sign3A_212 = arith.cmpi slt, %scan3A_155, %sign3A_211 : i32
        %sign3A_213 = arith.extui %sign3A_212 : i1 to i32
        %sign3A_214 = arith.subi %sign3A_210, %sign3A_213 : i32
        %sign3A_215 = arith.constant 0 : i32
        %sign3A_216 = arith.cmpi sgt, %jit3A_206, %sign3A_215 : i32
        %sign3A_217 = arith.extui %sign3A_216 : i1 to i32
        %sign3A_218 = arith.constant 0 : i32
        %sign3A_219 = arith.cmpi slt, %jit3A_206, %sign3A_218 : i32
        %sign3A_220 = arith.extui %sign3A_219 : i1 to i32
        %sign3A_221 = arith.subi %sign3A_217, %sign3A_220 : i32
        %ne3A_222 = arith.cmpi ne, %sign3A_214, %sign3A_221 : i32
        %rem3A_223 = arith.remsi %scan3A_155, %jit3A_206 : i32
        %ne3A_224 = arith.constant 0 : i32
        %ne3A_225 = arith.cmpi ne, %rem3A_223, %ne3A_224 : i32
        %and3A_226 = arith.andi %ne3A_222, %ne3A_225 : i1
        %sub3A_227 = arith.constant 1 : i32
        %sub3A_228 = arith.subi %div3A_207, %sub3A_227 : i32
        %select_n3A_229 = arith.select %and3A_226, %sub3A_228, %div3A_207 : i32
        %rem3A_230 = arith.constant 3 : i32
        %rem3A_231 = arith.remsi %select_n3A_229, %rem3A_230 : i32
        %rem3A_232 = arith.constant 16 : i32
        %rem3A_233 = arith.remsi %scan3A_155, %rem3A_232 : i32
        "tpu.region"() ({
          %run_scoped3A = tpu.sem_alloc : memref<!tpu.dma_semaphore, #tpu.memory_space<semaphore_mem>>
          %dma_start3A_235 = arith.constant 0 : i32
          %dma_start3A_236 = arith.constant 0 : i32
          %dma_start3A_237 = tpu.memref_slice %arg9[%rem3A_157, %dma_start3A_235, %dma_start3A_236] : memref<2x128x128xf32, #tpu.memory_space<vmem>> -> memref<1x128x128xf32, #tpu.memory_space<vmem>>
          %dma_start3A_238 = tpu.memref_squeeze %dma_start3A_237 : memref<1x128x128xf32, #tpu.memory_space<vmem>> -> memref<128x128xf32, #tpu.memory_space<vmem>>
          %dma_start3A_239 = arith.constant 0 : i32
          %dma_start3A_240 = tpu.memref_slice %arg8[%rem3A_231, %rem3A_233, %dma_start3A_239] : memref<3x16x128xi32, #tpu.memory_space<vmem>> -> memref<1x1x128xi32, #tpu.memory_space<vmem>>
          %dma_start3A_241 = tpu.memref_squeeze %dma_start3A_240 : memref<1x1x128xi32, #tpu.memory_space<vmem>> -> memref<128xi32, #tpu.memory_space<vmem>>
          %dma_start3A_242 = arith.constant 0 : i32
          %dma_start3A_243 = arith.constant 0 : i32
          %dma_start3A_244 = tpu.memref_slice %arg10[%dma_start3A_242, %dma_start3A_243] : memref<10112x128xf32, #tpu.memory_space<vmem_shared>> -> memref<10112x128xf32, #tpu.memory_space<vmem_shared>>
          tpu.enqueue_indirect_dma source(%dma_start3A_238 : memref<128x128xf32, #tpu.memory_space<vmem>>) target(%dma_start3A_244 : memref<10112x128xf32, #tpu.memory_space<vmem_shared>>) offsets(%dma_start3A_241 : memref<128xi32, #tpu.memory_space<vmem>>) semaphore(%run_scoped3A : memref<!tpu.dma_semaphore, #tpu.memory_space<semaphore_mem>>) {add = true}
          %dma_wait3A_245 = arith.constant 0 : i32
          %dma_wait3A_246 = arith.constant 0 : i32
          %dma_wait3A_247 = tpu.memref_slice %arg9[%rem3A_157, %dma_wait3A_245, %dma_wait3A_246] : memref<2x128x128xf32, #tpu.memory_space<vmem>> -> memref<1x128x128xf32, #tpu.memory_space<vmem>>
          %dma_wait3A_248 = tpu.memref_squeeze %dma_wait3A_247 : memref<1x128x128xf32, #tpu.memory_space<vmem>> -> memref<128x128xf32, #tpu.memory_space<vmem>>
          %dma_wait3A_249 = arith.constant 0 : i32
          %dma_wait3A_250 = tpu.memref_slice %arg8[%rem3A_231, %rem3A_233, %dma_wait3A_249] : memref<3x16x128xi32, #tpu.memory_space<vmem>> -> memref<1x1x128xi32, #tpu.memory_space<vmem>>
          %dma_wait3A_251 = tpu.memref_squeeze %dma_wait3A_250 : memref<1x1x128xi32, #tpu.memory_space<vmem>> -> memref<128xi32, #tpu.memory_space<vmem>>
          %dma_wait3A_252 = arith.constant 0 : i32
          %dma_wait3A_253 = arith.constant 0 : i32
          %dma_wait3A_254 = tpu.memref_slice %arg10[%dma_wait3A_252, %dma_wait3A_253] : memref<10112x128xf32, #tpu.memory_space<vmem_shared>> -> memref<10112x128xf32, #tpu.memory_space<vmem_shared>>
          tpu.wait_indirect_dma semaphore(%run_scoped3A : memref<!tpu.dma_semaphore, #tpu.memory_space<semaphore_mem>>) src(%dma_wait3A_248 : memref<128x128xf32, #tpu.memory_space<vmem>>) dst(%dma_wait3A_254 : memref<10112x128xf32, #tpu.memory_space<vmem_shared>>)
          tpu.yield
        }) : () -> ()
        %scan3A_234 = arith.constant 0 : i32
        scf.yield %scan3A_234 : i32
      }
      %scan3A_154 = arith.constant 80 : i32
    } else {
    }
    %eq3A_5 = arith.constant 1 : i32
    %eq3A_6 = arith.cmpi eq, %arg0, %eq3A_5 : i32
    %convert_element_type3A_7 = arith.extui %eq3A_6 : i1 to i32
    %cond3A_8 = arith.constant 0 : i32
    %cond3A_9 = arith.cmpi ne, %convert_element_type3A_7, %cond3A_8 : i32
    scf.if %cond3A_9 {
      %dma_start3A = arith.constant 0 : i32
      %dma_start3A_15 = arith.constant 0 : i32
      %dma_start3A_16 = arith.constant 0 : i32
      %dma_start3A_17 = arith.constant 0 : i32
      %dma_start3A_18 = tpu.memref_slice %arg7[%dma_start3A, %dma_start3A_16, %dma_start3A_17] : memref<3x16x128xi32, #tpu.memory_space<vmem>> -> memref<1x16x128xi32, #tpu.memory_space<vmem>>
      %dma_start3A_19 = tpu.memref_squeeze %dma_start3A_18 : memref<1x16x128xi32, #tpu.memory_space<vmem>> -> memref<16x128xi32, #tpu.memory_space<vmem>>
      %dma_start3A_20 = arith.constant 80 : i32
      %dma_start3A_21 = arith.constant 0 : i32
      %dma_start3A_22 = tpu.memref_slice %arg3[%arg1, %dma_start3A_20, %dma_start3A_21] : memref<16x160x128xi32, #tpu.memory_space<hbm>> -> memref<1x16x128xi32, #tpu.memory_space<hbm>>
      %dma_start3A_23 = tpu.memref_squeeze %dma_start3A_22 : memref<1x16x128xi32, #tpu.memory_space<hbm>> -> memref<16x128xi32, #tpu.memory_space<hbm>>
      %dma_start3A_24 = tpu.memref_slice %arg12[%dma_start3A_15] : memref<2x!tpu.dma_semaphore, #tpu.memory_space<semaphore_mem>> -> memref<1x!tpu.dma_semaphore, #tpu.memory_space<semaphore_mem>>
      %dma_start3A_25 = tpu.memref_squeeze %dma_start3A_24 : memref<1x!tpu.dma_semaphore, #tpu.memory_space<semaphore_mem>> -> memref<!tpu.dma_semaphore, #tpu.memory_space<semaphore_mem>>
      %dma_start3A_26 = arith.constant 0 : i32
      %dma_start3A_27 = arith.constant 0 : i32
      %dma_start3A_28 = tpu.memref_slice %arg7[%dma_start3A, %dma_start3A_26, %dma_start3A_27] : memref<3x16x128xi32, #tpu.memory_space<vmem>> -> memref<1x16x128xi32, #tpu.memory_space<vmem>>
      %dma_start3A_29 = tpu.memref_squeeze %dma_start3A_28 : memref<1x16x128xi32, #tpu.memory_space<vmem>> -> memref<16x128xi32, #tpu.memory_space<vmem>>
      %dma_start3A_30 = arith.constant 80 : i32
      %dma_start3A_31 = arith.constant 0 : i32
      %dma_start3A_32 = tpu.memref_slice %arg3[%arg1, %dma_start3A_30, %dma_start3A_31] : memref<16x160x128xi32, #tpu.memory_space<hbm>> -> memref<1x16x128xi32, #tpu.memory_space<hbm>>
      %dma_start3A_33 = tpu.memref_squeeze %dma_start3A_32 : memref<1x16x128xi32, #tpu.memory_space<hbm>> -> memref<16x128xi32, #tpu.memory_space<hbm>>
      tpu.enqueue_dma source(%dma_start3A_33 : memref<16x128xi32, #tpu.memory_space<hbm>>) target(%dma_start3A_29 : memref<16x128xi32, #tpu.memory_space<vmem>>) target_semaphore(%dma_start3A_25 : memref<!tpu.dma_semaphore, #tpu.memory_space<semaphore_mem>>)
      %dma_start3A_34 = arith.constant 0 : i32
      %dma_start3A_35 = arith.constant 1 : i32
      %dma_start3A_36 = arith.constant 0 : i32
      %dma_start3A_37 = arith.constant 0 : i32
      %dma_start3A_38 = tpu.memref_slice %arg8[%dma_start3A_34, %dma_start3A_36, %dma_start3A_37] : memref<3x16x128xi32, #tpu.memory_space<vmem>> -> memref<1x16x128xi32, #tpu.memory_space<vmem>>
      %dma_start3A_39 = tpu.memref_squeeze %dma_start3A_38 : memref<1x16x128xi32, #tpu.memory_space<vmem>> -> memref<16x128xi32, #tpu.memory_space<vmem>>
      %dma_start3A_40 = arith.constant 80 : i32
      %dma_start3A_41 = arith.constant 0 : i32
      %dma_start3A_42 = tpu.memref_slice %arg4[%arg1, %dma_start3A_40, %dma_start3A_41] : memref<16x160x128xi32, #tpu.memory_space<hbm>> -> memref<1x16x128xi32, #tpu.memory_space<hbm>>
      %dma_start3A_43 = tpu.memref_squeeze %dma_start3A_42 : memref<1x16x128xi32, #tpu.memory_space<hbm>> -> memref<16x128xi32, #tpu.memory_space<hbm>>
      %dma_start3A_44 = tpu.memref_slice %arg12[%dma_start3A_35] : memref<2x!tpu.dma_semaphore, #tpu.memory_space<semaphore_mem>> -> memref<1x!tpu.dma_semaphore, #tpu.memory_space<semaphore_mem>>
      %dma_start3A_45 = tpu.memref_squeeze %dma_start3A_44 : memref<1x!tpu.dma_semaphore, #tpu.memory_space<semaphore_mem>> -> memref<!tpu.dma_semaphore, #tpu.memory_space<semaphore_mem>>
      %dma_start3A_46 = arith.constant 0 : i32
      %dma_start3A_47 = arith.constant 0 : i32
      %dma_start3A_48 = tpu.memref_slice %arg8[%dma_start3A_34, %dma_start3A_46, %dma_start3A_47] : memref<3x16x128xi32, #tpu.memory_space<vmem>> -> memref<1x16x128xi32, #tpu.memory_space<vmem>>
      %dma_start3A_49 = tpu.memref_squeeze %dma_start3A_48 : memref<1x16x128xi32, #tpu.memory_space<vmem>> -> memref<16x128xi32, #tpu.memory_space<vmem>>
      %dma_start3A_50 = arith.constant 80 : i32
      %dma_start3A_51 = arith.constant 0 : i32
      %dma_start3A_52 = tpu.memref_slice %arg4[%arg1, %dma_start3A_50, %dma_start3A_51] : memref<16x160x128xi32, #tpu.memory_space<hbm>> -> memref<1x16x128xi32, #tpu.memory_space<hbm>>
      %dma_start3A_53 = tpu.memref_squeeze %dma_start3A_52 : memref<1x16x128xi32, #tpu.memory_space<hbm>> -> memref<16x128xi32, #tpu.memory_space<hbm>>
      tpu.enqueue_dma source(%dma_start3A_53 : memref<16x128xi32, #tpu.memory_space<hbm>>) target(%dma_start3A_49 : memref<16x128xi32, #tpu.memory_space<vmem>>) target_semaphore(%dma_start3A_45 : memref<!tpu.dma_semaphore, #tpu.memory_space<semaphore_mem>>)
      %dma_wait3A = arith.constant 0 : i32
      %dma_wait3A_54 = arith.constant 0 : i32
      %dma_wait3A_55 = arith.constant 0 : i32
      %dma_wait3A_56 = arith.constant 0 : i32
      %dma_wait3A_57 = tpu.memref_slice %arg7[%dma_wait3A, %dma_wait3A_55, %dma_wait3A_56] : memref<3x16x128xi32, #tpu.memory_space<vmem>> -> memref<1x16x128xi32, #tpu.memory_space<vmem>>
      %dma_wait3A_58 = tpu.memref_squeeze %dma_wait3A_57 : memref<1x16x128xi32, #tpu.memory_space<vmem>> -> memref<16x128xi32, #tpu.memory_space<vmem>>
      %dma_wait3A_59 = arith.constant 0 : i32
      %dma_wait3A_60 = arith.constant 0 : i32
      %dma_wait3A_61 = tpu.memref_slice %arg3[%arg1, %dma_wait3A_59, %dma_wait3A_60] : memref<16x160x128xi32, #tpu.memory_space<hbm>> -> memref<1x16x128xi32, #tpu.memory_space<hbm>>
      %dma_wait3A_62 = tpu.memref_squeeze %dma_wait3A_61 : memref<1x16x128xi32, #tpu.memory_space<hbm>> -> memref<16x128xi32, #tpu.memory_space<hbm>>
      %dma_wait3A_63 = tpu.memref_slice %arg12[%dma_wait3A_54] : memref<2x!tpu.dma_semaphore, #tpu.memory_space<semaphore_mem>> -> memref<1x!tpu.dma_semaphore, #tpu.memory_space<semaphore_mem>>
      %dma_wait3A_64 = tpu.memref_squeeze %dma_wait3A_63 : memref<1x!tpu.dma_semaphore, #tpu.memory_space<semaphore_mem>> -> memref<!tpu.dma_semaphore, #tpu.memory_space<semaphore_mem>>
      %dma_wait3A_65 = arith.constant 0 : i32
      %dma_wait3A_66 = arith.constant 0 : i32
      %dma_wait3A_67 = tpu.memref_slice %arg7[%dma_wait3A, %dma_wait3A_65, %dma_wait3A_66] : memref<3x16x128xi32, #tpu.memory_space<vmem>> -> memref<1x16x128xi32, #tpu.memory_space<vmem>>
      %dma_wait3A_68 = tpu.memref_squeeze %dma_wait3A_67 : memref<1x16x128xi32, #tpu.memory_space<vmem>> -> memref<16x128xi32, #tpu.memory_space<vmem>>
      %dma_wait3A_69 = arith.constant 0 : i32
      %dma_wait3A_70 = arith.constant 0 : i32
      %dma_wait3A_71 = tpu.memref_slice %arg3[%arg1, %dma_wait3A_69, %dma_wait3A_70] : memref<16x160x128xi32, #tpu.memory_space<hbm>> -> memref<1x16x128xi32, #tpu.memory_space<hbm>>
      %dma_wait3A_72 = tpu.memref_squeeze %dma_wait3A_71 : memref<1x16x128xi32, #tpu.memory_space<hbm>> -> memref<16x128xi32, #tpu.memory_space<hbm>>
      tpu.wait_dma2 semaphore(%dma_wait3A_64 : memref<!tpu.dma_semaphore, #tpu.memory_space<semaphore_mem>>) src(%dma_wait3A_72 : memref<16x128xi32, #tpu.memory_space<hbm>>) dst(%dma_wait3A_68 : memref<16x128xi32, #tpu.memory_space<vmem>>)
      %dma_wait3A_73 = arith.constant 0 : i32
      %dma_wait3A_74 = arith.constant 1 : i32
      %dma_wait3A_75 = arith.constant 0 : i32
      %dma_wait3A_76 = arith.constant 0 : i32
      %dma_wait3A_77 = tpu.memref_slice %arg8[%dma_wait3A_73, %dma_wait3A_75, %dma_wait3A_76] : memref<3x16x128xi32, #tpu.memory_space<vmem>> -> memref<1x16x128xi32, #tpu.memory_space<vmem>>
      %dma_wait3A_78 = tpu.memref_squeeze %dma_wait3A_77 : memref<1x16x128xi32, #tpu.memory_space<vmem>> -> memref<16x128xi32, #tpu.memory_space<vmem>>
      %dma_wait3A_79 = arith.constant 0 : i32
      %dma_wait3A_80 = arith.constant 0 : i32
      %dma_wait3A_81 = tpu.memref_slice %arg4[%arg1, %dma_wait3A_79, %dma_wait3A_80] : memref<16x160x128xi32, #tpu.memory_space<hbm>> -> memref<1x16x128xi32, #tpu.memory_space<hbm>>
      %dma_wait3A_82 = tpu.memref_squeeze %dma_wait3A_81 : memref<1x16x128xi32, #tpu.memory_space<hbm>> -> memref<16x128xi32, #tpu.memory_space<hbm>>
      %dma_wait3A_83 = tpu.memref_slice %arg12[%dma_wait3A_74] : memref<2x!tpu.dma_semaphore, #tpu.memory_space<semaphore_mem>> -> memref<1x!tpu.dma_semaphore, #tpu.memory_space<semaphore_mem>>
      %dma_wait3A_84 = tpu.memref_squeeze %dma_wait3A_83 : memref<1x!tpu.dma_semaphore, #tpu.memory_space<semaphore_mem>> -> memref<!tpu.dma_semaphore, #tpu.memory_space<semaphore_mem>>
      %dma_wait3A_85 = arith.constant 0 : i32
      %dma_wait3A_86 = arith.constant 0 : i32
      %dma_wait3A_87 = tpu.memref_slice %arg8[%dma_wait3A_73, %dma_wait3A_85, %dma_wait3A_86] : memref<3x16x128xi32, #tpu.memory_space<vmem>> -> memref<1x16x128xi32, #tpu.memory_space<vmem>>
      %dma_wait3A_88 = tpu.memref_squeeze %dma_wait3A_87 : memref<1x16x128xi32, #tpu.memory_space<vmem>> -> memref<16x128xi32, #tpu.memory_space<vmem>>
      %dma_wait3A_89 = arith.constant 0 : i32
      %dma_wait3A_90 = arith.constant 0 : i32
      %dma_wait3A_91 = tpu.memref_slice %arg4[%arg1, %dma_wait3A_89, %dma_wait3A_90] : memref<16x160x128xi32, #tpu.memory_space<hbm>> -> memref<1x16x128xi32, #tpu.memory_space<hbm>>
      %dma_wait3A_92 = tpu.memref_squeeze %dma_wait3A_91 : memref<1x16x128xi32, #tpu.memory_space<hbm>> -> memref<16x128xi32, #tpu.memory_space<hbm>>
      tpu.wait_dma2 semaphore(%dma_wait3A_84 : memref<!tpu.dma_semaphore, #tpu.memory_space<semaphore_mem>>) src(%dma_wait3A_92 : memref<16x128xi32, #tpu.memory_space<hbm>>) dst(%dma_wait3A_88 : memref<16x128xi32, #tpu.memory_space<vmem>>)
      %dma_start3A_93 = arith.constant 1 : i32
      %dma_start3A_94 = arith.constant 0 : i32
      %dma_start3A_95 = arith.constant 0 : i32
      %dma_start3A_96 = arith.constant 0 : i32
      %dma_start3A_97 = tpu.memref_slice %arg7[%dma_start3A_93, %dma_start3A_95, %dma_start3A_96] : memref<3x16x128xi32, #tpu.memory_space<vmem>> -> memref<1x16x128xi32, #tpu.memory_space<vmem>>
      %dma_start3A_98 = tpu.memref_squeeze %dma_start3A_97 : memref<1x16x128xi32, #tpu.memory_space<vmem>> -> memref<16x128xi32, #tpu.memory_space<vmem>>
      %dma_start3A_99 = arith.constant 96 : i32
      %dma_start3A_100 = arith.constant 0 : i32
      %dma_start3A_101 = tpu.memref_slice %arg3[%arg1, %dma_start3A_99, %dma_start3A_100] : memref<16x160x128xi32, #tpu.memory_space<hbm>> -> memref<1x16x128xi32, #tpu.memory_space<hbm>>
      %dma_start3A_102 = tpu.memref_squeeze %dma_start3A_101 : memref<1x16x128xi32, #tpu.memory_space<hbm>> -> memref<16x128xi32, #tpu.memory_space<hbm>>
      %dma_start3A_103 = tpu.memref_slice %arg12[%dma_start3A_94] : memref<2x!tpu.dma_semaphore, #tpu.memory_space<semaphore_mem>> -> memref<1x!tpu.dma_semaphore, #tpu.memory_space<semaphore_mem>>
      %dma_start3A_104 = tpu.memref_squeeze %dma_start3A_103 : memref<1x!tpu.dma_semaphore, #tpu.memory_space<semaphore_mem>> -> memref<!tpu.dma_semaphore, #tpu.memory_space<semaphore_mem>>
      %dma_start3A_105 = arith.constant 0 : i32
      %dma_start3A_106 = arith.constant 0 : i32
      %dma_start3A_107 = tpu.memref_slice %arg7[%dma_start3A_93, %dma_start3A_105, %dma_start3A_106] : memref<3x16x128xi32, #tpu.memory_space<vmem>> -> memref<1x16x128xi32, #tpu.memory_space<vmem>>
      %dma_start3A_108 = tpu.memref_squeeze %dma_start3A_107 : memref<1x16x128xi32, #tpu.memory_space<vmem>> -> memref<16x128xi32, #tpu.memory_space<vmem>>
      %dma_start3A_109 = arith.constant 96 : i32
      %dma_start3A_110 = arith.constant 0 : i32
      %dma_start3A_111 = tpu.memref_slice %arg3[%arg1, %dma_start3A_109, %dma_start3A_110] : memref<16x160x128xi32, #tpu.memory_space<hbm>> -> memref<1x16x128xi32, #tpu.memory_space<hbm>>
      %dma_start3A_112 = tpu.memref_squeeze %dma_start3A_111 : memref<1x16x128xi32, #tpu.memory_space<hbm>> -> memref<16x128xi32, #tpu.memory_space<hbm>>
      tpu.enqueue_dma source(%dma_start3A_112 : memref<16x128xi32, #tpu.memory_space<hbm>>) target(%dma_start3A_108 : memref<16x128xi32, #tpu.memory_space<vmem>>) target_semaphore(%dma_start3A_104 : memref<!tpu.dma_semaphore, #tpu.memory_space<semaphore_mem>>)
      %dma_start3A_113 = arith.constant 1 : i32
      %dma_start3A_114 = arith.constant 1 : i32
      %dma_start3A_115 = arith.constant 0 : i32
      %dma_start3A_116 = arith.constant 0 : i32
      %dma_start3A_117 = tpu.memref_slice %arg8[%dma_start3A_113, %dma_start3A_115, %dma_start3A_116] : memref<3x16x128xi32, #tpu.memory_space<vmem>> -> memref<1x16x128xi32, #tpu.memory_space<vmem>>
      %dma_start3A_118 = tpu.memref_squeeze %dma_start3A_117 : memref<1x16x128xi32, #tpu.memory_space<vmem>> -> memref<16x128xi32, #tpu.memory_space<vmem>>
      %dma_start3A_119 = arith.constant 96 : i32
      %dma_start3A_120 = arith.constant 0 : i32
      %dma_start3A_121 = tpu.memref_slice %arg4[%arg1, %dma_start3A_119, %dma_start3A_120] : memref<16x160x128xi32, #tpu.memory_space<hbm>> -> memref<1x16x128xi32, #tpu.memory_space<hbm>>
      %dma_start3A_122 = tpu.memref_squeeze %dma_start3A_121 : memref<1x16x128xi32, #tpu.memory_space<hbm>> -> memref<16x128xi32, #tpu.memory_space<hbm>>
      %dma_start3A_123 = tpu.memref_slice %arg12[%dma_start3A_114] : memref<2x!tpu.dma_semaphore, #tpu.memory_space<semaphore_mem>> -> memref<1x!tpu.dma_semaphore, #tpu.memory_space<semaphore_mem>>
      %dma_start3A_124 = tpu.memref_squeeze %dma_start3A_123 : memref<1x!tpu.dma_semaphore, #tpu.memory_space<semaphore_mem>> -> memref<!tpu.dma_semaphore, #tpu.memory_space<semaphore_mem>>
      %dma_start3A_125 = arith.constant 0 : i32
      %dma_start3A_126 = arith.constant 0 : i32
      %dma_start3A_127 = tpu.memref_slice %arg8[%dma_start3A_113, %dma_start3A_125, %dma_start3A_126] : memref<3x16x128xi32, #tpu.memory_space<vmem>> -> memref<1x16x128xi32, #tpu.memory_space<vmem>>
      %dma_start3A_128 = tpu.memref_squeeze %dma_start3A_127 : memref<1x16x128xi32, #tpu.memory_space<vmem>> -> memref<16x128xi32, #tpu.memory_space<vmem>>
      %dma_start3A_129 = arith.constant 96 : i32
      %dma_start3A_130 = arith.constant 0 : i32
      %dma_start3A_131 = tpu.memref_slice %arg4[%arg1, %dma_start3A_129, %dma_start3A_130] : memref<16x160x128xi32, #tpu.memory_space<hbm>> -> memref<1x16x128xi32, #tpu.memory_space<hbm>>
      %dma_start3A_132 = tpu.memref_squeeze %dma_start3A_131 : memref<1x16x128xi32, #tpu.memory_space<hbm>> -> memref<16x128xi32, #tpu.memory_space<hbm>>
      tpu.enqueue_dma source(%dma_start3A_132 : memref<16x128xi32, #tpu.memory_space<hbm>>) target(%dma_start3A_128 : memref<16x128xi32, #tpu.memory_space<vmem>>) target_semaphore(%dma_start3A_124 : memref<!tpu.dma_semaphore, #tpu.memory_space<semaphore_mem>>)
      %dma_start3A_133 = arith.constant 0 : i32
      %dma_start3A_134 = arith.constant 0 : i32
      %dma_start3A_135 = arith.constant 0 : i32
      %dma_start3A_136 = arith.constant 0 : i32
      %dma_start3A_137 = arith.constant 0 : i32
      %dma_start3A_138 = arith.constant 0 : i32
      %dma_start3A_139 = tpu.memref_slice %arg9[%dma_start3A_135, %dma_start3A_137, %dma_start3A_138] : memref<2x128x128xf32, #tpu.memory_space<vmem>> -> memref<1x128x128xf32, #tpu.memory_space<vmem>>
      %dma_start3A_140 = tpu.memref_squeeze %dma_start3A_139 : memref<1x128x128xf32, #tpu.memory_space<vmem>> -> memref<128x128xf32, #tpu.memory_space<vmem>>
      %dma_start3A_141 = arith.constant 0 : i32
      %dma_start3A_142 = tpu.memref_slice %arg7[%dma_start3A_133, %dma_start3A_134, %dma_start3A_141] : memref<3x16x128xi32, #tpu.memory_space<vmem>> -> memref<1x1x128xi32, #tpu.memory_space<vmem>>
      %dma_start3A_143 = tpu.memref_squeeze %dma_start3A_142 : memref<1x1x128xi32, #tpu.memory_space<vmem>> -> memref<128xi32, #tpu.memory_space<vmem>>
      %dma_start3A_144 = arith.constant 0 : i32
      %dma_start3A_145 = arith.constant 0 : i32
      %dma_start3A_146 = tpu.memref_slice %arg2[%dma_start3A_144, %dma_start3A_145] : memref<10000x128xf32, #tpu.memory_space<hbm>> -> memref<10000x128xf32, #tpu.memory_space<hbm>>
      %dma_start3A_147 = tpu.memref_slice %arg11[%dma_start3A_136] : memref<2x!tpu.dma_semaphore, #tpu.memory_space<semaphore_mem>> -> memref<1x!tpu.dma_semaphore, #tpu.memory_space<semaphore_mem>>
      %dma_start3A_148 = tpu.memref_squeeze %dma_start3A_147 : memref<1x!tpu.dma_semaphore, #tpu.memory_space<semaphore_mem>> -> memref<!tpu.dma_semaphore, #tpu.memory_space<semaphore_mem>>
      tpu.enqueue_indirect_dma source(%dma_start3A_146 : memref<10000x128xf32, #tpu.memory_space<hbm>>) target(%dma_start3A_140 : memref<128x128xf32, #tpu.memory_space<vmem>>) offsets(%dma_start3A_143 : memref<128xi32, #tpu.memory_space<vmem>>) semaphore(%dma_start3A_148 : memref<!tpu.dma_semaphore, #tpu.memory_space<semaphore_mem>>)
      %scan3A = arith.constant 0 : i32
      %scan3A_149 = arith.constant 0 : i32
      %scan3A_150 = arith.constant 80 : i32
      %scan3A_151 = arith.addi %scan3A_149, %scan3A_150 : i32
      %scan3A_152 = arith.constant 1 : i32
      %scan3A_153 = scf.for %scan3A_155 = %scan3A_149 to %scan3A_151 step %scan3A_152 iter_args(%scan3A_156 = %scan3A) -> (i32)  : i32 {
        %rem3A = arith.constant 2 : i32
        %rem3A_157 = arith.remsi %scan3A_155, %rem3A : i32
        %add3A = arith.constant 2 : i32
        %add3A_158 = arith.addi %scan3A_155, %add3A : i32
        %sub3A = arith.constant 1 : i32
        %sub3A_159 = arith.subi %add3A_158, %sub3A : i32
        %jit3A = arith.constant 16 : i32
        %div3A = arith.divsi %sub3A_159, %jit3A : i32
        %sign3A = arith.constant 0 : i32
        %sign3A_160 = arith.cmpi sgt, %sub3A_159, %sign3A : i32
        %sign3A_161 = arith.extui %sign3A_160 : i1 to i32
        %sign3A_162 = arith.constant 0 : i32
        %sign3A_163 = arith.cmpi slt, %sub3A_159, %sign3A_162 : i32
        %sign3A_164 = arith.extui %sign3A_163 : i1 to i32
        %sign3A_165 = arith.subi %sign3A_161, %sign3A_164 : i32
        %sign3A_166 = arith.constant 0 : i32
        %sign3A_167 = arith.cmpi sgt, %jit3A, %sign3A_166 : i32
        %sign3A_168 = arith.extui %sign3A_167 : i1 to i32
        %sign3A_169 = arith.constant 0 : i32
        %sign3A_170 = arith.cmpi slt, %jit3A, %sign3A_169 : i32
        %sign3A_171 = arith.extui %sign3A_170 : i1 to i32
        %sign3A_172 = arith.subi %sign3A_168, %sign3A_171 : i32
        %ne3A = arith.cmpi ne, %sign3A_165, %sign3A_172 : i32
        %rem3A_173 = arith.remsi %sub3A_159, %jit3A : i32
        %ne3A_174 = arith.constant 0 : i32
        %ne3A_175 = arith.cmpi ne, %rem3A_173, %ne3A_174 : i32
        %and3A = arith.andi %ne3A, %ne3A_175 : i1
        %sub3A_176 = arith.constant 1 : i32
        %sub3A_177 = arith.subi %div3A, %sub3A_176 : i32
        %select_n3A = arith.select %and3A, %sub3A_177, %div3A : i32
        %lt3A = arith.constant 80 : i32
        %lt3A_178 = arith.cmpi slt, %sub3A_159, %lt3A : i32
        %rem3A_179 = arith.constant 16 : i32
        %rem3A_180 = arith.remsi %sub3A_159, %rem3A_179 : i32
        %eq3A_181 = arith.constant 0 : i32
        %eq3A_182 = arith.cmpi eq, %rem3A_180, %eq3A_181 : i32
        %and3A_183 = arith.andi %lt3A_178, %eq3A_182 : i1
        %convert_element_type3A_184 = arith.extui %and3A_183 : i1 to i32
        %cond3A_185 = arith.constant 0 : i32
        %cond3A_186 = arith.cmpi ne, %convert_element_type3A_184, %cond3A_185 : i32
        scf.if %cond3A_186 {
          %rem3A_235 = arith.constant 3 : i32
          %rem3A_236 = arith.remsi %select_n3A, %rem3A_235 : i32
          %dma_wait3A_237 = arith.constant 0 : i32
          %dma_wait3A_238 = arith.constant 0 : i32
          %dma_wait3A_239 = arith.constant 0 : i32
          %dma_wait3A_240 = tpu.memref_slice %arg7[%rem3A_236, %dma_wait3A_238, %dma_wait3A_239] : memref<3x16x128xi32, #tpu.memory_space<vmem>> -> memref<1x16x128xi32, #tpu.memory_space<vmem>>
          %dma_wait3A_241 = tpu.memref_squeeze %dma_wait3A_240 : memref<1x16x128xi32, #tpu.memory_space<vmem>> -> memref<16x128xi32, #tpu.memory_space<vmem>>
          %dma_wait3A_242 = arith.constant 0 : i32
          %dma_wait3A_243 = arith.constant 0 : i32
          %dma_wait3A_244 = tpu.memref_slice %arg3[%arg1, %dma_wait3A_242, %dma_wait3A_243] : memref<16x160x128xi32, #tpu.memory_space<hbm>> -> memref<1x16x128xi32, #tpu.memory_space<hbm>>
          %dma_wait3A_245 = tpu.memref_squeeze %dma_wait3A_244 : memref<1x16x128xi32, #tpu.memory_space<hbm>> -> memref<16x128xi32, #tpu.memory_space<hbm>>
          %dma_wait3A_246 = tpu.memref_slice %arg12[%dma_wait3A_237] : memref<2x!tpu.dma_semaphore, #tpu.memory_space<semaphore_mem>> -> memref<1x!tpu.dma_semaphore, #tpu.memory_space<semaphore_mem>>
          %dma_wait3A_247 = tpu.memref_squeeze %dma_wait3A_246 : memref<1x!tpu.dma_semaphore, #tpu.memory_space<semaphore_mem>> -> memref<!tpu.dma_semaphore, #tpu.memory_space<semaphore_mem>>
          %dma_wait3A_248 = arith.constant 0 : i32
          %dma_wait3A_249 = arith.constant 0 : i32
          %dma_wait3A_250 = tpu.memref_slice %arg7[%rem3A_236, %dma_wait3A_248, %dma_wait3A_249] : memref<3x16x128xi32, #tpu.memory_space<vmem>> -> memref<1x16x128xi32, #tpu.memory_space<vmem>>
          %dma_wait3A_251 = tpu.memref_squeeze %dma_wait3A_250 : memref<1x16x128xi32, #tpu.memory_space<vmem>> -> memref<16x128xi32, #tpu.memory_space<vmem>>
          %dma_wait3A_252 = arith.constant 0 : i32
          %dma_wait3A_253 = arith.constant 0 : i32
          %dma_wait3A_254 = tpu.memref_slice %arg3[%arg1, %dma_wait3A_252, %dma_wait3A_253] : memref<16x160x128xi32, #tpu.memory_space<hbm>> -> memref<1x16x128xi32, #tpu.memory_space<hbm>>
          %dma_wait3A_255 = tpu.memref_squeeze %dma_wait3A_254 : memref<1x16x128xi32, #tpu.memory_space<hbm>> -> memref<16x128xi32, #tpu.memory_space<hbm>>
          tpu.wait_dma2 semaphore(%dma_wait3A_247 : memref<!tpu.dma_semaphore, #tpu.memory_space<semaphore_mem>>) src(%dma_wait3A_255 : memref<16x128xi32, #tpu.memory_space<hbm>>) dst(%dma_wait3A_251 : memref<16x128xi32, #tpu.memory_space<vmem>>)
          %dma_wait3A_256 = arith.constant 1 : i32
          %dma_wait3A_257 = arith.constant 0 : i32
          %dma_wait3A_258 = arith.constant 0 : i32
          %dma_wait3A_259 = tpu.memref_slice %arg8[%rem3A_236, %dma_wait3A_257, %dma_wait3A_258] : memref<3x16x128xi32, #tpu.memory_space<vmem>> -> memref<1x16x128xi32, #tpu.memory_space<vmem>>
          %dma_wait3A_260 = tpu.memref_squeeze %dma_wait3A_259 : memref<1x16x128xi32, #tpu.memory_space<vmem>> -> memref<16x128xi32, #tpu.memory_space<vmem>>
          %dma_wait3A_261 = arith.constant 0 : i32
          %dma_wait3A_262 = arith.constant 0 : i32
          %dma_wait3A_263 = tpu.memref_slice %arg4[%arg1, %dma_wait3A_261, %dma_wait3A_262] : memref<16x160x128xi32, #tpu.memory_space<hbm>> -> memref<1x16x128xi32, #tpu.memory_space<hbm>>
          %dma_wait3A_264 = tpu.memref_squeeze %dma_wait3A_263 : memref<1x16x128xi32, #tpu.memory_space<hbm>> -> memref<16x128xi32, #tpu.memory_space<hbm>>
          %dma_wait3A_265 = tpu.memref_slice %arg12[%dma_wait3A_256] : memref<2x!tpu.dma_semaphore, #tpu.memory_space<semaphore_mem>> -> memref<1x!tpu.dma_semaphore, #tpu.memory_space<semaphore_mem>>
          %dma_wait3A_266 = tpu.memref_squeeze %dma_wait3A_265 : memref<1x!tpu.dma_semaphore, #tpu.memory_space<semaphore_mem>> -> memref<!tpu.dma_semaphore, #tpu.memory_space<semaphore_mem>>
          %dma_wait3A_267 = arith.constant 0 : i32
          %dma_wait3A_268 = arith.constant 0 : i32
          %dma_wait3A_269 = tpu.memref_slice %arg8[%rem3A_236, %dma_wait3A_267, %dma_wait3A_268] : memref<3x16x128xi32, #tpu.memory_space<vmem>> -> memref<1x16x128xi32, #tpu.memory_space<vmem>>
          %dma_wait3A_270 = tpu.memref_squeeze %dma_wait3A_269 : memref<1x16x128xi32, #tpu.memory_space<vmem>> -> memref<16x128xi32, #tpu.memory_space<vmem>>
          %dma_wait3A_271 = arith.constant 0 : i32
          %dma_wait3A_272 = arith.constant 0 : i32
          %dma_wait3A_273 = tpu.memref_slice %arg4[%arg1, %dma_wait3A_271, %dma_wait3A_272] : memref<16x160x128xi32, #tpu.memory_space<hbm>> -> memref<1x16x128xi32, #tpu.memory_space<hbm>>
          %dma_wait3A_274 = tpu.memref_squeeze %dma_wait3A_273 : memref<1x16x128xi32, #tpu.memory_space<hbm>> -> memref<16x128xi32, #tpu.memory_space<hbm>>
          tpu.wait_dma2 semaphore(%dma_wait3A_266 : memref<!tpu.dma_semaphore, #tpu.memory_space<semaphore_mem>>) src(%dma_wait3A_274 : memref<16x128xi32, #tpu.memory_space<hbm>>) dst(%dma_wait3A_270 : memref<16x128xi32, #tpu.memory_space<vmem>>)
          %add3A_275 = arith.constant 1 : i32
          %add3A_276 = arith.addi %select_n3A, %add3A_275 : i32
          %lt3A_277 = arith.constant 5 : i32
          %lt3A_278 = arith.cmpi slt, %add3A_276, %lt3A_277 : i32
          %convert_element_type3A_279 = arith.extui %lt3A_278 : i1 to i32
          %cond3A_280 = arith.constant 0 : i32
          %cond3A_281 = arith.cmpi ne, %convert_element_type3A_279, %cond3A_280 : i32
          scf.if %cond3A_281 {
            %add3A_282 = arith.constant 1 : i32
            %add3A_283 = arith.addi %select_n3A, %add3A_282 : i32
            %add3A_284 = arith.constant 1 : i32
            %add3A_285 = arith.addi %select_n3A, %add3A_284 : i32
            %rem3A_286 = arith.constant 3 : i32
            %rem3A_287 = arith.remsi %add3A_285, %rem3A_286 : i32
            %mul3A_288 = arith.constant 16 : i32
            %mul3A_289 = arith.muli %add3A_283, %mul3A_288 : i32
            %add3A_290 = arith.constant 80 : i32
            %add3A_291 = arith.addi %add3A_290, %mul3A_289 : i32
            %dma_start3A_292 = arith.constant 0 : i32
            %dma_start3A_293 = arith.constant 0 : i32
            %dma_start3A_294 = arith.constant 0 : i32
            %dma_start3A_295 = tpu.memref_slice %arg7[%rem3A_287, %dma_start3A_293, %dma_start3A_294] : memref<3x16x128xi32, #tpu.memory_space<vmem>> -> memref<1x16x128xi32, #tpu.memory_space<vmem>>
            %dma_start3A_296 = tpu.memref_squeeze %dma_start3A_295 : memref<1x16x128xi32, #tpu.memory_space<vmem>> -> memref<16x128xi32, #tpu.memory_space<vmem>>
            %dma_start3A_297 = arith.constant 0 : i32
            %dma_start3A_298 = tpu.memref_slice %arg3[%arg1, %add3A_291, %dma_start3A_297] : memref<16x160x128xi32, #tpu.memory_space<hbm>> -> memref<1x16x128xi32, #tpu.memory_space<hbm>>
            %dma_start3A_299 = tpu.memref_squeeze %dma_start3A_298 : memref<1x16x128xi32, #tpu.memory_space<hbm>> -> memref<16x128xi32, #tpu.memory_space<hbm>>
            %dma_start3A_300 = tpu.memref_slice %arg12[%dma_start3A_292] : memref<2x!tpu.dma_semaphore, #tpu.memory_space<semaphore_mem>> -> memref<1x!tpu.dma_semaphore, #tpu.memory_space<semaphore_mem>>
            %dma_start3A_301 = tpu.memref_squeeze %dma_start3A_300 : memref<1x!tpu.dma_semaphore, #tpu.memory_space<semaphore_mem>> -> memref<!tpu.dma_semaphore, #tpu.memory_space<semaphore_mem>>
            %dma_start3A_302 = arith.constant 0 : i32
            %dma_start3A_303 = arith.constant 0 : i32
            %dma_start3A_304 = tpu.memref_slice %arg7[%rem3A_287, %dma_start3A_302, %dma_start3A_303] : memref<3x16x128xi32, #tpu.memory_space<vmem>> -> memref<1x16x128xi32, #tpu.memory_space<vmem>>
            %dma_start3A_305 = tpu.memref_squeeze %dma_start3A_304 : memref<1x16x128xi32, #tpu.memory_space<vmem>> -> memref<16x128xi32, #tpu.memory_space<vmem>>
            %dma_start3A_306 = arith.constant 0 : i32
            %dma_start3A_307 = tpu.memref_slice %arg3[%arg1, %add3A_291, %dma_start3A_306] : memref<16x160x128xi32, #tpu.memory_space<hbm>> -> memref<1x16x128xi32, #tpu.memory_space<hbm>>
            %dma_start3A_308 = tpu.memref_squeeze %dma_start3A_307 : memref<1x16x128xi32, #tpu.memory_space<hbm>> -> memref<16x128xi32, #tpu.memory_space<hbm>>
            tpu.enqueue_dma source(%dma_start3A_308 : memref<16x128xi32, #tpu.memory_space<hbm>>) target(%dma_start3A_305 : memref<16x128xi32, #tpu.memory_space<vmem>>) target_semaphore(%dma_start3A_301 : memref<!tpu.dma_semaphore, #tpu.memory_space<semaphore_mem>>)
            %mul3A_309 = arith.constant 16 : i32
            %mul3A_310 = arith.muli %add3A_283, %mul3A_309 : i32
            %add3A_311 = arith.constant 80 : i32
            %add3A_312 = arith.addi %add3A_311, %mul3A_310 : i32
            %dma_start3A_313 = arith.constant 1 : i32
            %dma_start3A_314 = arith.constant 0 : i32
            %dma_start3A_315 = arith.constant 0 : i32
            %dma_start3A_316 = tpu.memref_slice %arg8[%rem3A_287, %dma_start3A_314, %dma_start3A_315] : memref<3x16x128xi32, #tpu.memory_space<vmem>> -> memref<1x16x128xi32, #tpu.memory_space<vmem>>
            %dma_start3A_317 = tpu.memref_squeeze %dma_start3A_316 : memref<1x16x128xi32, #tpu.memory_space<vmem>> -> memref<16x128xi32, #tpu.memory_space<vmem>>
            %dma_start3A_318 = arith.constant 0 : i32
            %dma_start3A_319 = tpu.memref_slice %arg4[%arg1, %add3A_312, %dma_start3A_318] : memref<16x160x128xi32, #tpu.memory_space<hbm>> -> memref<1x16x128xi32, #tpu.memory_space<hbm>>
            %dma_start3A_320 = tpu.memref_squeeze %dma_start3A_319 : memref<1x16x128xi32, #tpu.memory_space<hbm>> -> memref<16x128xi32, #tpu.memory_space<hbm>>
            %dma_start3A_321 = tpu.memref_slice %arg12[%dma_start3A_313] : memref<2x!tpu.dma_semaphore, #tpu.memory_space<semaphore_mem>> -> memref<1x!tpu.dma_semaphore, #tpu.memory_space<semaphore_mem>>
            %dma_start3A_322 = tpu.memref_squeeze %dma_start3A_321 : memref<1x!tpu.dma_semaphore, #tpu.memory_space<semaphore_mem>> -> memref<!tpu.dma_semaphore, #tpu.memory_space<semaphore_mem>>
            %dma_start3A_323 = arith.constant 0 : i32
            %dma_start3A_324 = arith.constant 0 : i32
            %dma_start3A_325 = tpu.memref_slice %arg8[%rem3A_287, %dma_start3A_323, %dma_start3A_324] : memref<3x16x128xi32, #tpu.memory_space<vmem>> -> memref<1x16x128xi32, #tpu.memory_space<vmem>>
            %dma_start3A_326 = tpu.memref_squeeze %dma_start3A_325 : memref<1x16x128xi32, #tpu.memory_space<vmem>> -> memref<16x128xi32, #tpu.memory_space<vmem>>
            %dma_start3A_327 = arith.constant 0 : i32
            %dma_start3A_328 = tpu.memref_slice %arg4[%arg1, %add3A_312, %dma_start3A_327] : memref<16x160x128xi32, #tpu.memory_space<hbm>> -> memref<1x16x128xi32, #tpu.memory_space<hbm>>
            %dma_start3A_329 = tpu.memref_squeeze %dma_start3A_328 : memref<1x16x128xi32, #tpu.memory_space<hbm>> -> memref<16x128xi32, #tpu.memory_space<hbm>>
            tpu.enqueue_dma source(%dma_start3A_329 : memref<16x128xi32, #tpu.memory_space<hbm>>) target(%dma_start3A_326 : memref<16x128xi32, #tpu.memory_space<vmem>>) target_semaphore(%dma_start3A_322 : memref<!tpu.dma_semaphore, #tpu.memory_space<semaphore_mem>>)
          } else {
          }
        } else {
        }
        %lt3A_187 = arith.constant 80 : i32
        %lt3A_188 = arith.cmpi slt, %sub3A_159, %lt3A_187 : i32
        %convert_element_type3A_189 = arith.extui %lt3A_188 : i1 to i32
        %cond3A_190 = arith.constant 0 : i32
        %cond3A_191 = arith.cmpi ne, %convert_element_type3A_189, %cond3A_190 : i32
        scf.if %cond3A_191 {
          %rem3A_235 = arith.constant 3 : i32
          %rem3A_236 = arith.remsi %select_n3A, %rem3A_235 : i32
          %rem3A_237 = arith.constant 16 : i32
          %rem3A_238 = arith.remsi %sub3A_159, %rem3A_237 : i32
          %rem3A_239 = arith.constant 2 : i32
          %rem3A_240 = arith.remsi %sub3A_159, %rem3A_239 : i32
          %rem3A_241 = arith.constant 2 : i32
          %rem3A_242 = arith.remsi %sub3A_159, %rem3A_241 : i32
          %dma_start3A_243 = arith.constant 0 : i32
          %dma_start3A_244 = arith.constant 0 : i32
          %dma_start3A_245 = tpu.memref_slice %arg9[%rem3A_240, %dma_start3A_243, %dma_start3A_244] : memref<2x128x128xf32, #tpu.memory_space<vmem>> -> memref<1x128x128xf32, #tpu.memory_space<vmem>>
          %dma_start3A_246 = tpu.memref_squeeze %dma_start3A_245 : memref<1x128x128xf32, #tpu.memory_space<vmem>> -> memref<128x128xf32, #tpu.memory_space<vmem>>
          %dma_start3A_247 = arith.constant 0 : i32
          %dma_start3A_248 = tpu.memref_slice %arg7[%rem3A_236, %rem3A_238, %dma_start3A_247] : memref<3x16x128xi32, #tpu.memory_space<vmem>> -> memref<1x1x128xi32, #tpu.memory_space<vmem>>
          %dma_start3A_249 = tpu.memref_squeeze %dma_start3A_248 : memref<1x1x128xi32, #tpu.memory_space<vmem>> -> memref<128xi32, #tpu.memory_space<vmem>>
          %dma_start3A_250 = arith.constant 0 : i32
          %dma_start3A_251 = arith.constant 0 : i32
          %dma_start3A_252 = tpu.memref_slice %arg2[%dma_start3A_250, %dma_start3A_251] : memref<10000x128xf32, #tpu.memory_space<hbm>> -> memref<10000x128xf32, #tpu.memory_space<hbm>>
          %dma_start3A_253 = tpu.memref_slice %arg11[%rem3A_242] : memref<2x!tpu.dma_semaphore, #tpu.memory_space<semaphore_mem>> -> memref<1x!tpu.dma_semaphore, #tpu.memory_space<semaphore_mem>>
          %dma_start3A_254 = tpu.memref_squeeze %dma_start3A_253 : memref<1x!tpu.dma_semaphore, #tpu.memory_space<semaphore_mem>> -> memref<!tpu.dma_semaphore, #tpu.memory_space<semaphore_mem>>
          tpu.enqueue_indirect_dma source(%dma_start3A_252 : memref<10000x128xf32, #tpu.memory_space<hbm>>) target(%dma_start3A_246 : memref<128x128xf32, #tpu.memory_space<vmem>>) offsets(%dma_start3A_249 : memref<128xi32, #tpu.memory_space<vmem>>) semaphore(%dma_start3A_254 : memref<!tpu.dma_semaphore, #tpu.memory_space<semaphore_mem>>)
        } else {
        }
        %dma_wait3A_192 = arith.constant 0 : i32
        %dma_wait3A_193 = arith.constant 0 : i32
        %dma_wait3A_194 = arith.constant 0 : i32
        %dma_wait3A_195 = arith.constant 0 : i32
        %dma_wait3A_196 = tpu.memref_slice %arg9[%rem3A_157, %dma_wait3A_194, %dma_wait3A_195] : memref<2x128x128xf32, #tpu.memory_space<vmem>> -> memref<1x128x128xf32, #tpu.memory_space<vmem>>
        %dma_wait3A_197 = tpu.memref_squeeze %dma_wait3A_196 : memref<1x128x128xf32, #tpu.memory_space<vmem>> -> memref<128x128xf32, #tpu.memory_space<vmem>>
        %dma_wait3A_198 = arith.constant 0 : i32
        %dma_wait3A_199 = tpu.memref_slice %arg7[%dma_wait3A_192, %dma_wait3A_193, %dma_wait3A_198] : memref<3x16x128xi32, #tpu.memory_space<vmem>> -> memref<1x1x128xi32, #tpu.memory_space<vmem>>
        %dma_wait3A_200 = tpu.memref_squeeze %dma_wait3A_199 : memref<1x1x128xi32, #tpu.memory_space<vmem>> -> memref<128xi32, #tpu.memory_space<vmem>>
        %dma_wait3A_201 = arith.constant 0 : i32
        %dma_wait3A_202 = arith.constant 0 : i32
        %dma_wait3A_203 = tpu.memref_slice %arg2[%dma_wait3A_201, %dma_wait3A_202] : memref<10000x128xf32, #tpu.memory_space<hbm>> -> memref<10000x128xf32, #tpu.memory_space<hbm>>
        %dma_wait3A_204 = tpu.memref_slice %arg11[%rem3A_157] : memref<2x!tpu.dma_semaphore, #tpu.memory_space<semaphore_mem>> -> memref<1x!tpu.dma_semaphore, #tpu.memory_space<semaphore_mem>>
        %dma_wait3A_205 = tpu.memref_squeeze %dma_wait3A_204 : memref<1x!tpu.dma_semaphore, #tpu.memory_space<semaphore_mem>> -> memref<!tpu.dma_semaphore, #tpu.memory_space<semaphore_mem>>
        tpu.wait_indirect_dma semaphore(%dma_wait3A_205 : memref<!tpu.dma_semaphore, #tpu.memory_space<semaphore_mem>>) src(%dma_wait3A_203 : memref<10000x128xf32, #tpu.memory_space<hbm>>) dst(%dma_wait3A_197 : memref<128x128xf32, #tpu.memory_space<vmem>>)
        %jit3A_206 = arith.constant 16 : i32
        %div3A_207 = arith.divsi %scan3A_155, %jit3A_206 : i32
        %sign3A_208 = arith.constant 0 : i32
        %sign3A_209 = arith.cmpi sgt, %scan3A_155, %sign3A_208 : i32
        %sign3A_210 = arith.extui %sign3A_209 : i1 to i32
        %sign3A_211 = arith.constant 0 : i32
        %sign3A_212 = arith.cmpi slt, %scan3A_155, %sign3A_211 : i32
        %sign3A_213 = arith.extui %sign3A_212 : i1 to i32
        %sign3A_214 = arith.subi %sign3A_210, %sign3A_213 : i32
        %sign3A_215 = arith.constant 0 : i32
        %sign3A_216 = arith.cmpi sgt, %jit3A_206, %sign3A_215 : i32
        %sign3A_217 = arith.extui %sign3A_216 : i1 to i32
        %sign3A_218 = arith.constant 0 : i32
        %sign3A_219 = arith.cmpi slt, %jit3A_206, %sign3A_218 : i32
        %sign3A_220 = arith.extui %sign3A_219 : i1 to i32
        %sign3A_221 = arith.subi %sign3A_217, %sign3A_220 : i32
        %ne3A_222 = arith.cmpi ne, %sign3A_214, %sign3A_221 : i32
        %rem3A_223 = arith.remsi %scan3A_155, %jit3A_206 : i32
        %ne3A_224 = arith.constant 0 : i32
        %ne3A_225 = arith.cmpi ne, %rem3A_223, %ne3A_224 : i32
        %and3A_226 = arith.andi %ne3A_222, %ne3A_225 : i1
        %sub3A_227 = arith.constant 1 : i32
        %sub3A_228 = arith.subi %div3A_207, %sub3A_227 : i32
        %select_n3A_229 = arith.select %and3A_226, %sub3A_228, %div3A_207 : i32
        %rem3A_230 = arith.constant 3 : i32
        %rem3A_231 = arith.remsi %select_n3A_229, %rem3A_230 : i32
        %rem3A_232 = arith.constant 16 : i32
        %rem3A_233 = arith.remsi %scan3A_155, %rem3A_232 : i32
        "tpu.region"() ({
          %run_scoped3A = tpu.sem_alloc : memref<!tpu.dma_semaphore, #tpu.memory_space<semaphore_mem>>
          %dma_start3A_235 = arith.constant 0 : i32
          %dma_start3A_236 = arith.constant 0 : i32
          %dma_start3A_237 = tpu.memref_slice %arg9[%rem3A_157, %dma_start3A_235, %dma_start3A_236] : memref<2x128x128xf32, #tpu.memory_space<vmem>> -> memref<1x128x128xf32, #tpu.memory_space<vmem>>
          %dma_start3A_238 = tpu.memref_squeeze %dma_start3A_237 : memref<1x128x128xf32, #tpu.memory_space<vmem>> -> memref<128x128xf32, #tpu.memory_space<vmem>>
          %dma_start3A_239 = arith.constant 0 : i32
          %dma_start3A_240 = tpu.memref_slice %arg8[%rem3A_231, %rem3A_233, %dma_start3A_239] : memref<3x16x128xi32, #tpu.memory_space<vmem>> -> memref<1x1x128xi32, #tpu.memory_space<vmem>>
          %dma_start3A_241 = tpu.memref_squeeze %dma_start3A_240 : memref<1x1x128xi32, #tpu.memory_space<vmem>> -> memref<128xi32, #tpu.memory_space<vmem>>
          %dma_start3A_242 = arith.constant 0 : i32
          %dma_start3A_243 = arith.constant 0 : i32
          %dma_start3A_244 = tpu.memref_slice %arg10[%dma_start3A_242, %dma_start3A_243] : memref<10112x128xf32, #tpu.memory_space<vmem_shared>> -> memref<10112x128xf32, #tpu.memory_space<vmem_shared>>
          tpu.enqueue_indirect_dma source(%dma_start3A_238 : memref<128x128xf32, #tpu.memory_space<vmem>>) target(%dma_start3A_244 : memref<10112x128xf32, #tpu.memory_space<vmem_shared>>) offsets(%dma_start3A_241 : memref<128xi32, #tpu.memory_space<vmem>>) semaphore(%run_scoped3A : memref<!tpu.dma_semaphore, #tpu.memory_space<semaphore_mem>>) {add = true}
          %dma_wait3A_245 = arith.constant 0 : i32
          %dma_wait3A_246 = arith.constant 0 : i32
          %dma_wait3A_247 = tpu.memref_slice %arg9[%rem3A_157, %dma_wait3A_245, %dma_wait3A_246] : memref<2x128x128xf32, #tpu.memory_space<vmem>> -> memref<1x128x128xf32, #tpu.memory_space<vmem>>
          %dma_wait3A_248 = tpu.memref_squeeze %dma_wait3A_247 : memref<1x128x128xf32, #tpu.memory_space<vmem>> -> memref<128x128xf32, #tpu.memory_space<vmem>>
          %dma_wait3A_249 = arith.constant 0 : i32
          %dma_wait3A_250 = tpu.memref_slice %arg8[%rem3A_231, %rem3A_233, %dma_wait3A_249] : memref<3x16x128xi32, #tpu.memory_space<vmem>> -> memref<1x1x128xi32, #tpu.memory_space<vmem>>
          %dma_wait3A_251 = tpu.memref_squeeze %dma_wait3A_250 : memref<1x1x128xi32, #tpu.memory_space<vmem>> -> memref<128xi32, #tpu.memory_space<vmem>>
          %dma_wait3A_252 = arith.constant 0 : i32
          %dma_wait3A_253 = arith.constant 0 : i32
          %dma_wait3A_254 = tpu.memref_slice %arg10[%dma_wait3A_252, %dma_wait3A_253] : memref<10112x128xf32, #tpu.memory_space<vmem_shared>> -> memref<10112x128xf32, #tpu.memory_space<vmem_shared>>
          tpu.wait_indirect_dma semaphore(%run_scoped3A : memref<!tpu.dma_semaphore, #tpu.memory_space<semaphore_mem>>) src(%dma_wait3A_248 : memref<128x128xf32, #tpu.memory_space<vmem>>) dst(%dma_wait3A_254 : memref<10112x128xf32, #tpu.memory_space<vmem_shared>>)
          tpu.yield
        }) : () -> ()
        %scan3A_234 = arith.constant 0 : i32
        scf.yield %scan3A_234 : i32
      }
      %scan3A_154 = arith.constant 80 : i32
    } else {
    }
    %barrier3A_10 = arith.constant 0 : index
    tpu.barrier barrier_id(%barrier3A_10)
    %mul3A_11 = arith.constant 632 : i32
    %mul3A_12 = arith.muli %arg1, %mul3A_11 : i32
    %mul3A_13 = arith.constant 632 : i32
    %mul3A_14 = arith.muli %arg1, %mul3A_13 : i32
    "tpu.region"() ({
      %run_scoped3A = tpu.sem_alloc : memref<!tpu.dma_semaphore, #tpu.memory_space<semaphore_mem>>
      %dma_start3A = arith.constant 0 : i32
      %dma_start3A_15 = tpu.memref_slice %arg6[%arg0, %mul3A_14, %dma_start3A] : memref<2x10112x128xf32, #tpu.memory_space<hbm>> -> memref<1x632x128xf32, #tpu.memory_space<hbm>>
      %dma_start3A_16 = tpu.memref_squeeze %dma_start3A_15 : memref<1x632x128xf32, #tpu.memory_space<hbm>> -> memref<632x128xf32, #tpu.memory_space<hbm>>
      %dma_start3A_17 = arith.constant 0 : i32
      %dma_start3A_18 = tpu.memref_slice %arg10[%mul3A_12, %dma_start3A_17] : memref<10112x128xf32, #tpu.memory_space<vmem_shared>> -> memref<632x128xf32, #tpu.memory_space<vmem_shared>>
      tpu.enqueue_dma source(%dma_start3A_18 : memref<632x128xf32, #tpu.memory_space<vmem_shared>>) target(%dma_start3A_16 : memref<632x128xf32, #tpu.memory_space<hbm>>) target_semaphore(%run_scoped3A : memref<!tpu.dma_semaphore, #tpu.memory_space<semaphore_mem>>)
      %dma_wait3A = arith.constant 0 : i32
      %dma_wait3A_19 = tpu.memref_slice %arg6[%arg0, %mul3A_14, %dma_wait3A] : memref<2x10112x128xf32, #tpu.memory_space<hbm>> -> memref<1x632x128xf32, #tpu.memory_space<hbm>>
      %dma_wait3A_20 = tpu.memref_squeeze %dma_wait3A_19 : memref<1x632x128xf32, #tpu.memory_space<hbm>> -> memref<632x128xf32, #tpu.memory_space<hbm>>
      %dma_wait3A_21 = arith.constant 0 : i32
      %dma_wait3A_22 = tpu.memref_slice %arg10[%mul3A_12, %dma_wait3A_21] : memref<10112x128xf32, #tpu.memory_space<vmem_shared>> -> memref<632x128xf32, #tpu.memory_space<vmem_shared>>
      tpu.wait_dma2 semaphore(%run_scoped3A : memref<!tpu.dma_semaphore, #tpu.memory_space<semaphore_mem>>) src(%dma_wait3A_22 : memref<632x128xf32, #tpu.memory_space<vmem_shared>>) dst(%dma_wait3A_20 : memref<632x128xf32, #tpu.memory_space<hbm>>)
      tpu.yield
    }) : () -> ()
    return
  }
}

</mosaic_0001>

<sc_bundles>
// kernel: _sc_agg.3.cloned.1.call-start
scs
__scs_entry_jumppad:
0x0: {  	(pc) =	sbr.rel $0x88, $3  }
0x1: {  	(tag) =	ssettag $0x0;
	lr =	simm.s32 $0x1  }
0x2: {  	[smem:$0x3F9D] =	sst lr;
	_ =	strace $0xD0000000  }
0x3: {  	_ = 	snop  }
0x4: {  	_ = 	snop  }
0x5: {  	_ = 	snop  }
0x6: {  	_ = 	snop  }
0x7: {  	_ = 	snop  }
__scs_overlays_trampoline_lowered:
0x8: {  	[smem:$0x3FAC] =	sst s0  }
0x9: {  	[smem:$0x3FAD] =	sst s1  }
0xa: {  	[smem:$0x3FAE] =	sst s2  }
0xb: {  	[smem:$0x3FAF] =	sst s3  }
0xc: {  	[smem:$0x3FB0] =	sst s4  }
0xd: {  	[smem:$0x3FB1] =	sst s5  }
0xe: {  	[smem:$0x3FB2] =	sst s6  }
0xf: {  	[smem:$0x3FB3] =	sst s7  }
0x10: {  	[smem:$0x3FB4] =	sst s8  }
0x11: {  	[smem:$0x3FB5] =	sst s9;
	s0 =	simm.s32 @!p0 $0x0  }
0x12: {  	s1 =	sld [smem:$0x3F9B];
	s0 =	simm.s32 @p0 $0x1  }
0x13: {  	[smem:$0x3FB6] =	sst s0;
	s0 =	simm.s32 @!p1 $0x0  }
0x14: {  	s2 =	sld [smem:$0x3F9A];
	s0 =	simm.s32 @p1 $0x1  }
0x15: {  	[smem:$0x3FB7] =	sst s0;
	s0 =	simm.s32 @!p2 $0x0  }
0x16: {  	s3 =	sld [smem:$0x3FDB];
	s0 =	simm.s32 @p2 $0x1  }
0x17: {  	s4 =	simm.s32 $0x1BF5;
	[smem:$0x3FB9] =	sst s0  }
0x18: {  	s0 =	sld [smem:$0x3F9C];
	_ =	swait.ge [sflag:s4], $0x0  }
0x19: {  	s7 =	sld [smem:$0x3F9D]  }
0x1a: {  	s8 =	sadd.s32 $0xFFFFE003, lr  }
0x1b: {  	s9 =	sadd.s32 $0xFFFFFEF7, lr;
	s5 =	simm.s32 $0xFFFFFFFF;
	p2 =	slt.u32 s8, $0xFFFFF086  }
0x1c: {  	p1 =	slt.u32 s9, $0xF7A;
	s5 =	simm.s32 @!p2 $0x0  }
0x1d: {  	s5 =	simm.s32 @p1 $0x1;
	p0 =	seq.s32 s7, s2  }
0x1e: {  	s7 =	smul.u32 @!p0 $0xF7A, s2;
	p2 =	seq.s32 @!p0 s5, $0x0  }
0x1f: {  	s9 =	smul.u32 $0xF7A, s1;
	s8 =	simm.s32 @!p0 $0x1BF5;
	p2 =	por !p2, p0  }
0x20: {  	[sflag:s8] =	ssyncset.s32 @!p0 $0xFFFFF086;
	s6 =	sadd.s32 @!p0 s3, s7;
	s7 =	simm.s32 @!p0 $0x108  }
0x21: {  	s3 =	sadd.s32 s3, s9;
	s6 =	sadd.s32 @!p0 $0x88, s6;
	s7 =	simm.s32 @p2 $0x1082  }
0x22: {  	[simem:s7], [sflag:s8] =	dma.local @!p0 [hbm:s6], $0xF7A  }
0x23: {  	s9 =	sor.u32 $0xD0000000, s2;
	s6 =	simm.s32 $0x108;
	_ =	swait.ge @!p0 [sflag:s8], $0x0  }
0x24: {  	s3 =	sadd.s32 $0x88, s3;
	s6 =	simm.s32 @!p1 $0x1082;
	[sflag:s4] =	ssyncset.s32 $0xFFFFF086  }
0x25: {  	[simem:s6], [sflag:s4] =	dma.local [hbm:s3], $0xF7A  }
0x26: {  	[smem:$0x3F9D] =	sst s1;
	(tag) =	ssettag s2;
	_ =	strace s9  }
0x27: {  	s1 =	sld [smem:$0x3FAD]  }
0x28: {  	s2 =	sld [smem:$0x3FAE]  }
0x29: {  	s4 =	sld [smem:$0x3FB0]  }
0x2a: {  	p0 =	seq.s32 s5, $0x0;
	s5 =	sld [smem:$0x3FB1]  }
0x2b: {  	s6 =	sld [smem:$0x3FB2]  }
0x2c: {  	s7 =	sld [smem:$0x3FB3]  }
0x2d: {  	s3 =	simm.s32 $0x108;
	s8 =	sld [smem:$0x3FB4]  }
0x2e: {  	s3 =	simm.s32 @!p0 $0x1082;
	s9 =	sld [smem:$0x3FB5]  }
0x2f: {  	lr =	sadd.s32 s0, s3;
	s0 =	sld [smem:$0x3FAC]  }
0x30: {  	s3 =	sld [smem:$0x3FAF]  }
0x31: {  	[smem:$0x3FB8] =	sst s10  }
0x32: {  	s10 =	sld [smem:$0x3FB6];
	_ =	sdelay $0x3  }
0x33: {  	p0 =	seq.s32 s10, $0x1;
	s10 =	sld [smem:$0x3FB8];
	_ =	sdelay $0x3  }
0x34: {  	[smem:$0x3FB8] =	sst s10  }
0x35: {  	s10 =	sld [smem:$0x3FB7];
	_ =	sdelay $0x3  }
0x36: {  	p1 =	seq.s32 s10, $0x1;
	s10 =	sld [smem:$0x3FB8];
	_ =	sdelay $0x3  }
0x37: {  	[smem:$0x3FB8] =	sst s10  }
0x38: {  	s10 =	sld [smem:$0x3FB9]  }
0x39: {  	_ = 	snop;
	(pc) =	sbr.ind lr, $3  }
0x3a: {  	_ = 	snop  }
0x3b: {  	_ = 	snop  }
0x3c: {  	p2 =	seq.s32 s10, $0x1;
	s10 =	sld [smem:$0x3FB8]  }
0x3d: {  	_ =	shalt  }
0x3e: {  	_ =	shalt  }
0x3f: {  	_ =	shalt  }
0x40: {  	_ =	shalt  }
0x41: {  	_ =	shalt  }
0x42: {  	_ =	shalt  }
0x43: {  	_ =	shalt  }
0x44: {  	_ =	shalt  }
0x45: {  	_ =	shalt  }
0x46: {  	_ =	shalt  }
0x47: {  	_ =	shalt  }
0x48: {  	_ =	shalt  }
0x49: {  	_ =	shalt  }
0x4a: {  	_ =	shalt  }
0x4b: {  	_ =	shalt  }
0x4c: {  	_ =	shalt  }
0x4d: {  	_ =	shalt  }
0x4e: {  	_ =	shalt  }
0x4f: {  	_ =	shalt  }
0x50: {  	_ =	shalt  }
0x51: {  	_ =	shalt  }
0x52: {  	_ =	shalt  }
0x53: {  	_ =	shalt  }
0x54: {  	_ =	shalt  }
0x55: {  	_ =	shalt  }
0x56: {  	_ =	shalt  }
0x57: {  	_ =	shalt  }
0x58: {  	_ =	shalt  }
0x59: {  	_ =	shalt  }
0x5a: {  	_ =	shalt  }
0x5b: {  	_ =	shalt  }
0x5c: {  	_ =	shalt  }
0x5d: {  	_ =	shalt  }
0x5e: {  	_ =	shalt  }
0x5f: {  	_ =	shalt  }
0x60: {  	_ =	shalt  }
0x61: {  	_ =	shalt  }
0x62: {  	_ =	shalt  }
0x63: {  	_ =	shalt  }
0x64: {  	_ =	shalt  }
0x65: {  	_ =	shalt  }
0x66: {  	_ =	shalt  }
0x67: {  	_ =	shalt  }
0x68: {  	_ =	shalt  }
0x69: {  	_ =	shalt  }
0x6a: {  	_ =	shalt  }
0x6b: {  	_ =	shalt  }
0x6c: {  	_ =	shalt  }
0x6d: {  	_ =	shalt  }
0x6e: {  	_ =	shalt  }
0x6f: {  	_ =	shalt  }
0x70: {  	_ =	shalt  }
0x71: {  	_ =	shalt  }
0x72: {  	_ =	shalt  }
0x73: {  	_ =	shalt  }
0x74: {  	_ =	shalt  }
0x75: {  	_ =	shalt  }
0x76: {  	_ =	shalt  }
0x77: {  	_ =	shalt  }
0x78: {  	_ =	shalt  }
0x79: {  	_ =	shalt  }
0x7a: {  	_ =	shalt  }
0x7b: {  	_ =	shalt  }
0x7c: {  	_ =	shalt  }
0x7d: {  	_ =	shalt  }
0x7e: {  	_ =	shalt  }
0x7f: {  	_ =	shalt  }
0x80: {  	_ =	shalt  }
0x81: {  	_ =	shalt  }
0x82: {  	_ =	shalt  }
0x83: {  	_ =	shalt  }
0x84: {  	_ =	shalt  }
0x85: {  	_ =	shalt  }
0x86: {  	_ =	shalt  }
0x87: {  	_ =	shalt  }
.Lfunc_end0:
.L_simem_size_0:
called_computation_lowered:
.L_overlay_start_0:
0x88: {  	s2 =	sld [smem:$0x3FD9]  }
0x89: {  	s3 =	sld [smem:$0x3FFE];
	_ =	sdelay $0x1  }
0x8a: {  	s1 =	srdreg.scid  }
0x8b: {  	s0 =	sand.u32 $0x1, s1  }
0x8c: {  	s18 =	sshll.u32 s0, $0xA;
	s2 =	sadd.s32 s3, s2  }
0x8d: {  	s2 =	sadd.s32 s2, s18  }
0x8e: {  	[smem:$0x3FC4] =	sst s2  }
0x8f: {  	_ = 	snop  }
0x90: {  	s2 =	sld [smem:$0x3FC9]  }
0x91: {  	s19 =	sld [smem:$0x3FC8]  }
0x92: {  	s4 =	sld [smem:$0x3FC7]  }
0x93: {  	s5 =	sld [smem:$0x3FC6]  }
0x94: {  	s6 =	sld [smem:$0x3FD0];
	(tm) =	ssettm $0x1  }
0x95: {  	s7 =	sld [smem:$0x3FFB];
	_ =	sdelay $0x3  }
0x96: {  	_ =	strace s7  }
0x97: {  	s7 =	sld [smem:$0x3FFC];
	_ =	sdelay $0x3  }
0x98: {  	_ =	strace s7  }
0x99: {  	s7 =	sld [smem:$0x3FFD];
	_ =	sdelay $0x3  }
0x9a: {  	_ =	strace s7  }
0x9b: {  	_ =	strace $0x8FFFFFFF  }
0x9c: {  	s20 =	sld [smem:$0x3FDB];
	_ =	sdelay $0x1  }
0x9d: {  	s8 =	simm.s32 $_scs_section_size  }
0x9e: {  	s9 =	simm.s32 $_size__tile_overlayer_lowered;
	s10 =	simm.s32 $_tile_overlayer_lowered  }
0x9f: {  	s23 =	simm.s32 $0x1BFF;
	s22 =	sshll.u32 s10, $0x1;
	s7 =	sadd.s32 s8, s20  }
0xa0: {  	s11 =	simm.s32 $0x0;
	s21 =	sshll.u32 s9, $0x1;
	s9 =	sadd.s32 s22, s7  }
0xa1: {  	[timem:s11], [sflag:s23] =	dma.local [hbm:s9], s21  }
0xa2: {  	_ =	swait.ge [sflag:s23], s21  }
0xa3: {  	s8 =	ssub.s32 $0x0, s21;
	[sflag:s23] =	ssyncset.done $0x0  }
0xa4: {  	[sflag:s23] =	ssyncadd.s32 s8;
	_ =	sdelay $0x1  }
0xa5: {  	s24 =	simm.s32 $0x1B8B  }
0xa6: {  	_ =	swait.ge [sflag:s24], $0x1  }
0xa7: {  	[sflag:s24] =	ssyncset.done $0x0  }
0xa8: {  	s25 =	simm.s32 $0x1B8E;
	[sflag:s24] =	ssyncadd.s32 $0xFFFFFFFF  }
0xa9: {  	s26 =	simm.s32 $execute0_lowered;
	[smem:$0x3FD2] =	sst s25  }
0xaa: {  	s8 =	sshll.u32 s26, $0x1;
	_ =	strace $0x80000046;
	[dreg:$0x1] =	wrdreg $0xFFFFFFFF  }
0xab: {  	s28 =	simm.s32 $_size_execute0_lowered;
	s7 =	sadd.s32 s7, s8;
	[dreg:$0x0] =	wrdreg $0x0  }
0xac: {  	s8 =	sshll.u32 s28, $0x1;
	[dreg:$0x2] =	wrdreg s7  }
0xad: {  	[dreg:$0x3] =	wrdreg s8  }
0xae: {  	[dreg:$0x4] =	wrdreg $0xC0  }
0xaf: {  	_ =	task [dreg:s11], $0x5FFFF  }
0xb0: {  	[dreg:$0x1] =	wrdreg $0xFFFFFFFF  }
0xb1: {  	[dreg:$0x0] =	wrdreg $0x60  }
0xb2: {  	[dreg:$0x2] =	wrdreg s2  }
0xb3: {  	[dreg:$0x3] =	wrdreg s19  }
0xb4: {  	[dreg:$0x4] =	wrdreg s4  }
0xb5: {  	[dreg:$0x5] =	wrdreg s5  }
0xb6: {  	[dreg:$0x6] =	wrdreg s6  }
0xb7: {  	[dreg:$0x7] =	wrdreg $0xB0000  }
0xb8: {  	[dreg:$0x8] =	wrdreg $0x9  }
0xb9: {  	_ =	task.clear_ibuf [dreg:s11], $0x9FFFF;
	_ =	strace $0x90000046  }
0xba: {  	s29 =	simm.s32 $0x9;
	_ =	strace $0x80000048  }
0xbb: {  	_ =	swait.ge [sflag:s29], $0x1  }
0xbc: {  	[sflag:s29] =	ssyncadd.s32 $0xFFFFFFFF  }
0xbd: {  	_ =	strace $0x90000048  }
0xbe: {  	_ =	sfence  }
0xbf: {  	s30 =	sld [smem:$0x0];
	_ =	sdelay $0x2  }
0xc0: {  	s31 =	sshll.u32 s1, $0xD;
	s1 =	sshrl.u32 s1, $0x2  }
0xc1: {  	s3 =	sand.u32 $0x4000, s31;
	s1 =	sadd.s32 s1, s30  }
0xc2: {  	s0 =	sor.u32 s3, s0;
	s1 =	sshll.u32 s1, $0x11  }
0xc3: {  	s0 =	sor.u32 s1, s0  }
0xc4: {  	s0 =	sadd.s32 $0x8F2B, s0  }
0xc5: {  	[sflag:s0] =	ssyncadd.remote.s32 $0x1  }
0xc6: {  	_ =	sfence.sel $0xFFFF  }
0xc7: {  	[dreg:$0x0] =	wrdreg $0xFFFFFFFF;
	(pc) =	sbr.abs _section_cstart, $3  }
0xc8: {  	[dreg:$0x1] =	wrdreg $0xFFFFFFFF  }
0xc9: {  	_ =	task.clear_ibuf [dreg:s11], $0x2FFFF;
	_ =	strace $0x9FFFFFFF  }
0xca: {  	(tm) =	ssettm $0x7FFFFFFF  }
0xcb: {  	_ =	shalt  }
tec
execute0_lowered:
.L_overlay_start_1:
0x0: {  	(tag) =	ssettag $0x1  }
0x1: {  	s1 =	rddreg [dreg:$0x0]  }
0x2: {  	s2 =	rddreg [dreg:$0x1]  }
0x3: {  	s3 =	rddreg [dreg:$0x2]  }
0x4: {  	s0 =	rddreg [dreg:$0x3]  }
0x5: {  	s4 =	rddreg [dreg:$0x4]  }
0x6: {  	s5 =	rddreg [dreg:$0x5];
	s7 =	srdreg.scid;
	s6 =	simm.s32 $0x0  }
0x7: {  	s12 =	stileid.u32;
	s28 =	simm.s32 $0x2000;
	s29 =	simm.s32 $0x80  }
0x8: {  	s30 =	simm.s32 $0x3000;
	s10 =	sand.u32 $0x1, s7;
	s8 =	smul.u32 $0x4F000, s12  }
0x9: {  	[smem:$0x7FF] =	sst s6;
	s11 =	smul.u32 $0x13C00, s12;
	s19 =	sshll.u32 s12, $0x6  }
0xa: {  	s7 =	ssub.s32 $0x2, s10;
	_ =	strace $0x80000047;
	p0 =	seq.s32 s10, $0x1  }
0xb: {  	s10 =	smul.u32 $0x13C000, s10;
	s9 =	sshrl.u32 s7, $0x1;
	s8 =	sshrl.u32 s8, $0x2  }
0xc: {  	s18 =	sshrl.u32 s11, $0x3;
	s20 =	ssub.s32 s7, s9;
	s7 =	smul.u32 $0x5000, s12  }
0xd: {  	s21 =	sadd.s32 s8, s5;
	s8 =	sadd.s32 s0, s18;
	s10 =	sadd.s32 s11, s10  }
0xe: {  	s9 =	sor.u32 $0x1C05, s19;
	s10 =	sshrl.u32 s10, $0x3;
	s20 =	smax.u32 s20, $0x1  }
0xf: {  	s21 =	sshrl.u32 s21, $0x3;
	s22 =	sshrl.u32 s7, $0x3;
	s12 =	sadd.s32 $0x2800, s7  }
0x10: {  	s19 =	sadd.s32 s4, s10;
	s23 =	sadd.s32 s2, s22;
	s24 =	sadd.s32 s3, s22  }
0x11: {  	s14 =	sor.u32 $0x100, s22;
	s16 =	sshrl.u32 s12, $0x3;
	[dreg:$0x7] =	wrdreg s23  }
0x12: {  	s0 =	sadd.s32 $0x600, s22;
	s22 =	simm.s32 $0x5;
	[dreg:$0x8] =	wrdreg s24  }
.Ltmp0:
0x13: {  	s13 =	sadd.s32 s2, s14;
	s25 =	sadd.s32 s3, s14;
	(pc) =	sbr.rel .LBB2_1-.Ltmp0, $4  }
0x14: {  	s26 =	sadd.s32 s2, s16;
	s31 =	sadd.s32 s3, s16;
	[dreg:$0x9] =	wrdreg s13  }
0x15: {  	s17 =	sadd.s32 s2, s0;
	s18 =	sadd.s32 s3, s0;
	[dreg:$0xa] =	wrdreg s25  }
0x16: {  	s23 =	simm.s32 $0x1800;
	s24 =	simm.s32 $0x3;
	[dreg:$0xb] =	wrdreg s26  }
0x17: {  	[dreg:$0xc] =	wrdreg s31;
	s25 =	simm.s32 $0x4;
	s26 =	simm.s32 $0x800  }
.LBB2_14:
0x18: {  	s6 =	sadd.s32 $0x1, s6  }
0x19: {  	p1 =	sne.s32 s6, s20  }
.Ltmp1:
0x1a: {  	[bflag:$0x0] =	sbarrier.arrive $0xFFFF;
	(pc) =	sbr.rel @!p1 .LBB2_15-.Ltmp1, $4  }
0x1b: {  	[hbm:s19], [sflag:s9] =	dma.local [spmem:s21], $0x2780  }
0x1c: {  	_ =	swait.ge [sflag:s22], $0x2780  }
0x1d: {  	[sflag:s22] =	ssyncset.done $0x0  }
0x1e: {  	[sflag:s22] =	ssyncadd.s32 $0xFFFFD880  }
.LBB2_1:
0x1f: {  	[spmem:s21], [sflag:s9] =	dma.local [hbm:s8], $0x2780  }
.Ltmp2:
0x20: {  	_ =	swait.ge [sflag:s22], $0x2780;
	(pc) =	sbr.rel @!p0 .LBB2_2-.Ltmp2, $3  }
0x21: {  	[sflag:s22] =	ssyncset.done $0x0  }
0x22: {  	[sflag:s22] =	ssyncadd.s32 $0xFFFFD880  }
0x23: {  	[bflag:$0x0] =	sbarrier.arrive $0xFFFF;
	_ =	sdelay $0x1  }
0x24: {  	s4 =	simm.s32 $0x0;
	s0 =	rddreg [dreg:$0xb]  }
0x25: {  	[tilespmem:s4], [sflag:$0x3] =	stream.linear.gather [hbm4b:s0+s4], $0x800, $0x38;
	[tilespmem:$0x1EC00] =	vst v63  }
0x26: {  	s16 =	rddreg [dreg:$0xc]  }
0x27: {  	[tilespmem:s23], [sflag:$0x4] =	stream.linear.gather [hbm4b:s16+s4], $0x800, $0x38;
	[tilespmem:$0x1EC00] =	vst v63  }
0x28: {  	_ =	swait.ge [sflag:s24], $0x800  }
0x29: {  	[sflag:s24] =	ssyncset.done $0x0  }
0x2a: {  	[sflag:s24] =	ssyncadd.s32 $0xFFFFF800  }
0x2b: {  	_ =	swait.ge [sflag:s25], $0x800  }
0x2c: {  	[sflag:s25] =	ssyncset.done $0x0  }
0x2d: {  	[sflag:s25] =	ssyncadd.s32 $0xFFFFF800  }
0x2e: {  	[tilespmem:s26], [sflag:$0x3] =	stream.linear.gather [hbm4b:s17+s4], $0x800, $0x38;
	[tilespmem:$0x1EC00] =	vst v63  }
.Ltmp3:
0x2f: {  	_ = 	snop;
	(pc) =	sbr.rel .LBB2_9-.Ltmp3, $4  }
0x30: {  	_ = 	snop  }
0x31: {  	[tilespmem:s28], [sflag:$0x4] =	stream.linear.gather [hbm4b:s18+s4], $0x800, $0x38;
	[tilespmem:$0x1EC00] =	vst v63  }
0x32: {  	s31 =	simm.s32 $0x0  }
0x33: {  	[tilespmem:s30], [sflag:$0x1] =	stream.indirect.gather [hbm4b:s1+s29], $0x80, s4, s29, $0xb8;
	[tilespmem:$0x1EC00] =	vst v63  }
.LBB2_10:
0x34: {  	p1 =	sgt.u32 s4, $0x3E  }
0x35: {  	s13 =	sadd.s32 @!p1 $0x1, s11  }
0x36: {  	s14 =	smul.u32 @!p1 $0xAB, s13;
	_ =	sdelay $0x1  }
0x37: {  	s14 =	sshrl.u32 @!p1 s14, $0x9  }
0x38: {  	_ =	swait.ge [sflag:s24], $0x800;
	s14 =	sand.u32 @!p1 $0x7F, s14  }
0x39: {  	[sflag:s24] =	ssyncset.done $0x0;
	s14 =	smul.u32 @!p1 $0x3, s14  }
0x3a: {  	s16 =	simm.s32 @!p1 $0x0;
	[sflag:s24] =	ssyncadd.s32 $0xFFFFF800;
	s15 =	sshll.u32 @!p1 s13, $0xB  }
0x3b: {  	_ =	swait.ge [sflag:s25], $0x800;
	s15 =	sadd.s32 @!p1 s15, s12;
	s13 =	ssub.s32 @!p1 s13, s14  }
0x3c: {  	[sflag:s25] =	ssyncset.done $0x0;
	s14 =	sshrl.u32 @!p1 s15, $0x3;
	s13 =	sand.u32 @!p1 $0xFF, s13  }
0x3d: {  	[sflag:s25] =	ssyncadd.s32 $0xFFFFF800;
	s15 =	sadd.s32 @!p1 s2, s14;
	s13 =	sshll.u32 @!p1 s13, $0xB  }
0x3e: {  	[tilespmem:s13], [sflag:$0x3] =	stream.linear.gather @!p1 [hbm4b:s15+s16], $0x800, $0x38;
	[tilespmem:$0x1EC00] =	vst v63  }
0x3f: {  	s14 =	sadd.s32 @!p1 s3, s14;
	s13 =	sadd.s32 @!p1 $0x1800, s13  }
0x40: {  	[tilespmem:s13], [sflag:$0x4] =	stream.linear.gather @!p1 [hbm4b:s14+s16], $0x800, $0x38;
	[tilespmem:$0x1EC00] =	vst v63  }
.LBB2_12:
0x41: {  	s11 =	sshll.u32 s11, $0xD  }
0x42: {  	p1 =	slt.u32 s4, $0x2F;
	s13 =	sadd.s32 $0xFFFFA000, s11  }
0x43: {  	s14 =	sand.u32 $0x1, s0;
	s13 =	smov.u32 @p1 s11  }
0x44: {  	s10 =	sshll.u32 s10, $0x7;
	s15 =	sshll.u32 s14, $0xE;
	s13 =	sshra.s32 s13, $0x2  }
0x45: {  	s16 =	sadd.s32 $0x1, s14;
	s11 =	sor.u32 $0x3000, s15;
	s10 =	sor.u32 s10, s13  }
0x46: {  	[tilespmem:s11], [sflag:s16] =	stream.indirect.gather [hbm4b:s1+s29], $0x80, s10, s29, $0xb8;
	[tilespmem:$0x1EC00] =	vst v63  }
.LBB2_13:
0x47: {  	s10 =	sand.u32 $0xE000, s31;
	s11 =	sand.u32 $0x1, s4;
	p1 =	slt.u32 s4, $0x30  }
0x48: {  	s15 =	sand.u32 $0x1E00, s31;
	s4 =	sadd.s32 $0xFFFFA000, s10;
	s13 =	sadd.s32 $0x1, s11  }
0x49: {  	s16 =	sshll.u32 s11, $0xE;
	s4 =	smov.u32 @p1 s10;
	_ =	swait.ge [sflag:s13], $0x4000  }
0x4a: {  	s10 =	sshrl.u32 s15, $0x2;
	p1 =	sne.s32 s0, $0x50;
	s4 =	sshra.s32 s4, $0x2  }
0x4b: {  	[sflag:s13] =	ssyncset.done $0x0;
	s4 =	sor.u32 s10, s4;
	s10 =	sor.u32 $0x3000, s16  }
.Ltmp4:
0x4c: {  	[sflag:s13] =	ssyncadd.s32 $0xFFFFC000;
	s4 =	sadd.s32 $0x1800, s4;
	(pc) =	sbr.rel @!p1 .LBB2_14-.Ltmp4, $4  }
0x4d: {  	[spmem:s5] =	stream.indirect.scatter.add.f32 [tilespmem:s10], [sflag:$0x5], $0x80, s4, s29, $0xb8;
	[tilespmem:$0x1EC00] =	vst v63  }
0x4e: {  	_ =	swait.ge [sflag:s22], $0x4000  }
0x4f: {  	[sflag:s22] =	ssyncset.done $0x0  }
0x50: {  	s31 =	sadd.s32 $0x200, s31;
	s4 =	smov.u32 s0;
	[sflag:s22] =	ssyncadd.s32 $0xFFFFC000  }
.LBB2_9:
0x51: {  	s0 =	sadd.s32 $0x1, s4  }
0x52: {  	p1 =	seq.s32 s4, $0x4F;
	s10 =	sand.u32 $0xF, s0  }
0x53: {  	p2 =	sne.s32 @!p1 s10, $0x0  }
0x54: {  	p2 =	por p1, p2  }
.Ltmp5:
0x55: {  	_ = 	snop;
	(pc) =	sbr.rel @!p2 .LBB2_10-.Ltmp5, $2  }
0x56: {  	_ =	sdelay $0x2  }
0x57: {  	s11 =	sshrl.u32 s0, $0x4  }
.Ltmp6:
0x58: {  	(pc) =	sbr.rel @p1 .LBB2_13-.Ltmp6, $4  }
.Ltmp7:
0x59: {  	(pc) =	sbr.rel @!p1 .LBB2_12-.Ltmp7, $4  }
0x5a: {  	_ = 	snop  }
0x5b: {  	_ = 	snop  }
0x5c: {  	_ = 	snop  }
0x5d: {  	_ = 	snop  }
.LBB2_2:
0x5e: {  	s0 =	simm.s32 $0x0;
	s4 =	rddreg [dreg:$0x7]  }
0x5f: {  	[tilespmem:s0], [sflag:$0x3] =	stream.linear.gather [hbm4b:s4+s0], $0x800, $0x38;
	[tilespmem:$0x1EC00] =	vst v63  }
0x60: {  	s14 =	rddreg [dreg:$0x8]  }
0x61: {  	[tilespmem:s23], [sflag:$0x4] =	stream.linear.gather [hbm4b:s14+s0], $0x800, $0x38;
	[tilespmem:$0x1EC00] =	vst v63  }
0x62: {  	_ =	swait.ge [sflag:s24], $0x800  }
0x63: {  	[sflag:s24] =	ssyncset.done $0x0  }
0x64: {  	[sflag:s24] =	ssyncadd.s32 $0xFFFFF800  }
0x65: {  	_ =	swait.ge [sflag:s25], $0x800  }
0x66: {  	[sflag:s25] =	ssyncset.done $0x0  }
0x67: {  	s15 =	rddreg [dreg:$0x9];
	[sflag:s25] =	ssyncadd.s32 $0xFFFFF800  }
0x68: {  	[tilespmem:s26], [sflag:$0x3] =	stream.linear.gather [hbm4b:s15+s0], $0x800, $0x38;
	[tilespmem:$0x1EC00] =	vst v63  }
.Ltmp8:
0x69: {  	_ = 	snop;
	(pc) =	sbr.rel .LBB2_3-.Ltmp8, $4  }
0x6a: {  	s16 =	rddreg [dreg:$0xa]  }
0x6b: {  	[tilespmem:s28], [sflag:$0x4] =	stream.linear.gather [hbm4b:s16+s0], $0x800, $0x38;
	[tilespmem:$0x1EC00] =	vst v63  }
0x6c: {  	s31 =	simm.s32 $0x0  }
0x6d: {  	[tilespmem:s30], [sflag:$0x1] =	stream.indirect.gather [hbm4b:s1+s29], $0x80, s0, s29, $0xb8;
	[tilespmem:$0x1EC00] =	vst v63  }
.LBB2_4:
0x6e: {  	p1 =	sgt.u32 s0, $0x3E  }
0x6f: {  	s13 =	sadd.s32 @!p1 $0x1, s11  }
0x70: {  	s14 =	smul.u32 @!p1 $0xAB, s13;
	_ =	sdelay $0x1  }
0x71: {  	s14 =	sshrl.u32 @!p1 s14, $0x9  }
0x72: {  	_ =	swait.ge [sflag:s24], $0x800;
	s14 =	sand.u32 @!p1 $0x7F, s14  }
0x73: {  	[sflag:s24] =	ssyncset.done $0x0;
	s14 =	smul.u32 @!p1 $0x3, s14  }
0x74: {  	s16 =	simm.s32 @!p1 $0x0;
	[sflag:s24] =	ssyncadd.s32 $0xFFFFF800;
	s15 =	sshll.u32 @!p1 s13, $0xB  }
0x75: {  	_ =	swait.ge [sflag:s25], $0x800;
	s15 =	sadd.s32 @!p1 s7, s15;
	s13 =	ssub.s32 @!p1 s13, s14  }
0x76: {  	[sflag:s25] =	ssyncset.done $0x0;
	s14 =	sshrl.u32 @!p1 s15, $0x3;
	s13 =	sand.u32 @!p1 $0xFF, s13  }
0x77: {  	[sflag:s25] =	ssyncadd.s32 $0xFFFFF800;
	s15 =	sadd.s32 @!p1 s2, s14;
	s13 =	sshll.u32 @!p1 s13, $0xB  }
0x78: {  	[tilespmem:s13], [sflag:$0x3] =	stream.linear.gather @!p1 [hbm4b:s15+s16], $0x800, $0x38;
	[tilespmem:$0x1EC00] =	vst v63  }
0x79: {  	s14 =	sadd.s32 @!p1 s3, s14;
	s13 =	sadd.s32 @!p1 $0x1800, s13  }
0x7a: {  	[tilespmem:s13], [sflag:$0x4] =	stream.linear.gather @!p1 [hbm4b:s14+s16], $0x800, $0x38;
	[tilespmem:$0x1EC00] =	vst v63  }
.LBB2_6:
0x7b: {  	s11 =	sshll.u32 s11, $0xD  }
0x7c: {  	p1 =	slt.u32 s0, $0x2F;
	s13 =	sadd.s32 $0xFFFFA000, s11  }
0x7d: {  	s14 =	sand.u32 $0x1, s4;
	s13 =	smov.u32 @p1 s11  }
0x7e: {  	s10 =	sshll.u32 s10, $0x7;
	s15 =	sshll.u32 s14, $0xE;
	s13 =	sshra.s32 s13, $0x2  }
0x7f: {  	s16 =	sadd.s32 $0x1, s14;
	s11 =	sor.u32 $0x3000, s15;
	s10 =	sor.u32 s10, s13  }
0x80: {  	[tilespmem:s11], [sflag:s16] =	stream.indirect.gather [hbm4b:s1+s29], $0x80, s10, s29, $0xb8;
	[tilespmem:$0x1EC00] =	vst v63  }
.LBB2_7:
0x81: {  	s10 =	sand.u32 $0xE000, s31;
	s11 =	sand.u32 $0x1, s0;
	p1 =	slt.u32 s0, $0x30  }
0x82: {  	s15 =	sand.u32 $0x1E00, s31;
	s0 =	sadd.s32 $0xFFFFA000, s10;
	s13 =	sadd.s32 $0x1, s11  }
0x83: {  	s16 =	sshll.u32 s11, $0xE;
	s0 =	smov.u32 @p1 s10;
	_ =	swait.ge [sflag:s13], $0x4000  }
0x84: {  	s10 =	sshrl.u32 s15, $0x2;
	p1 =	seq.s32 s4, $0x50;
	s0 =	sshra.s32 s0, $0x2  }
0x85: {  	[sflag:s13] =	ssyncset.done $0x0;
	s0 =	sor.u32 s10, s0;
	s10 =	sor.u32 $0x3000, s16  }
.Ltmp9:
0x86: {  	[sflag:s13] =	ssyncadd.s32 $0xFFFFC000;
	s0 =	sadd.s32 $0x1800, s0;
	(pc) =	sbr.rel @p1 .LBB2_14-.Ltmp9, $4  }
0x87: {  	[spmem:s5] =	stream.indirect.scatter.add.f32 [tilespmem:s10], [sflag:$0x5], $0x80, s0, s29, $0xb8;
	[tilespmem:$0x1EC00] =	vst v63  }
0x88: {  	_ =	swait.ge [sflag:s22], $0x4000  }
0x89: {  	[sflag:s22] =	ssyncset.done $0x0  }
0x8a: {  	s31 =	sadd.s32 $0x200, s31;
	s0 =	smov.u32 s4;
	[sflag:s22] =	ssyncadd.s32 $0xFFFFC000  }
.LBB2_3:
0x8b: {  	s4 =	sadd.s32 $0x1, s0  }
0x8c: {  	p1 =	seq.s32 s0, $0x4F;
	s10 =	sand.u32 $0xF, s4  }
0x8d: {  	p2 =	sne.s32 @!p1 s10, $0x0  }
0x8e: {  	p2 =	por p1, p2  }
.Ltmp10:
0x8f: {  	_ = 	snop;
	(pc) =	sbr.rel @!p2 .LBB2_4-.Ltmp10, $2  }
0x90: {  	_ =	sdelay $0x2  }
0x91: {  	s11 =	sshrl.u32 s4, $0x4  }
.Ltmp11:
0x92: {  	(pc) =	sbr.rel @p1 .LBB2_7-.Ltmp11, $4  }
.Ltmp12:
0x93: {  	(pc) =	sbr.rel @!p1 .LBB2_6-.Ltmp12, $4  }
0x94: {  	_ = 	snop  }
0x95: {  	_ = 	snop  }
0x96: {  	_ = 	snop  }
0x97: {  	_ = 	snop  }
.LBB2_15:
0x98: {  	_ =	sfence.sel $0x180000  }
0x99: {  	[bflag:$0x0] =	sbarrier.arrive $0xFFFF  }
0x9a: {  	_ =	strace $0x90000047  }
0x9b: {  	s0 =	stileid.u32;
	[bflag:$0x2] =	sbarrier.arrive $0xFFFF  }
0x9c: {  	p0 =	sne.s32 s0, $0x0;
	s0 =	rddreg [dreg:$0x6]  }
0x9d: {  	s0 =	sadd.s32 @!p0 $0x100000, s0  }
0x9e: {  	[sflag:s0] =	ssyncadd.tile.s32 @!p0 $0x1;
	_ =	shalt  }
.Lfunc_end2:
_tile_overlayer_lowered:
.L_overlay_start_2:
0x9f: {  	(tag) =	ssettag $0x2  }
0xa0: {  	s0 =	rddreg [dreg:$0x0];
	s2 =	stileid.u32  }
0xa1: {  	s1 =	rddreg [dreg:$0x1];
	p0 =	sne.s32 s2, $0x0  }
0xa2: {  	s3 =	rddreg [dreg:$0x2];
	[bflag:$0x3] =	sbarrier.arrive $0xFFFF;
	s2 =	simm.s32 @!p0 $0x1C05  }
0xa3: {  	[timem:s3], [sflag:s2] =	dma.local @!p0 [hbm:s0], s1  }
0xa4: {  	s0 =	simm.s32 @!p0 $0x5  }
0xa5: {  	_ =	swait.ge @!p0 [sflag:s0], s1  }
0xa6: {  	s1 =	ssub.s32 @!p0 $0x0, s1;
	[sflag:s0] =	ssyncset.done @!p0 $0x0  }
0xa7: {  	[sflag:s0] =	ssyncadd.s32 @!p0 s1  }
0xa8: {  	[bflag:$0x3] =	sbarrier.arrive $0xFFFF  }
0xa9: {  	_ =	shalt  }

</sc_bundles>
